<compile_context>
chip_gen: v7x
topology: tpu7x:2x2x1
jax: 0.10.2.dev20260603
libtpu: 0.0.44.dev20260713+nightly
codegen_flags: <defaults>
</compile_context>

<pallas_src>
import functools

import jax
import jax.numpy as jnp
from jax import lax
from jax.experimental import pallas as pl
from jax.experimental.pallas import tpu as pltpu
from jax.experimental.pallas import tpu_sc as plsc

SEQ_BLOCK = 1024


def _add_kernel(in_ref, pos_ref, out_ref):
    out_ref[...] = in_ref[...] + pos_ref[...]


def _tc_kernel(input_embeddings, pos_table):
    batch, seq_len, dim = input_embeddings.shape
    s_blocks = seq_len // SEQ_BLOCK
    grid = (s_blocks, batch)
    return pl.pallas_call(
        _add_kernel,
        grid=grid,
        in_specs=[
            pl.BlockSpec((1, SEQ_BLOCK, dim), lambda s, b: (b, s, 0)),
            pl.BlockSpec((SEQ_BLOCK, dim), lambda s, b: (s, 0)),
        ],
        out_specs=pl.BlockSpec((1, SEQ_BLOCK, dim), lambda s, b: (b, s, 0)),
        out_shape=jax.ShapeDtypeStruct((batch, seq_len, dim), input_embeddings.dtype),
        compiler_params=pltpu.CompilerParams(
            dimension_semantics=("parallel", "parallel"),
        ),
    )(input_embeddings, pos_table)



_NC = 2
_NS = 16
_NW = _NC * _NS
_LANES = 16
_R = 8
_BATCH = 4
_SEQ = 2048
_DIM = 2048
_CHUNK = _R * _DIM
_UNROLL = 8


def _sc_body(in_hbm, pos_hbm, out_hbm,
             in_v0, in_v1, in_v2, pos_v0, pos_v1,
             si0, si1, si2, so0, so1, so2, sp0, sp1):
    in_bufs = [in_v0, in_v1, in_v2]
    in_sems = [si0, si1, si2]
    out_sems = [so0, so1, so2]
    pos_bufs = [pos_v0, pos_v1]
    pos_sems = [sp0, sp1]

    wid = lax.axis_index("s") * _NC + lax.axis_index("c")
    seq_per_w = _SEQ // _NW
    n_chunks = seq_per_w // _R
    n_steps = n_chunks * _BATCH
    base_row = wid * seq_per_w

    def in_off(step):
        sc_i, b = step // _BATCH, step % _BATCH
        return b * (_SEQ * _DIM) + (base_row + sc_i * _R) * _DIM

    def start_in(step):
        return pltpu.async_copy(
            in_hbm.at[pl.ds(in_off(step), _CHUNK)],
            in_bufs[step % 3], in_sems[step % 3])

    def start_out(step):
        return pltpu.async_copy(
            in_bufs[step % 3],
            out_hbm.at[pl.ds(in_off(step), _CHUNK)], out_sems[step % 3])

    def start_pos(sc_i):
        return pltpu.async_copy(
            pos_hbm.at[pl.ds((base_row + sc_i * _R) * _DIM, _CHUNK)],
            pos_bufs[sc_i % 2], pos_sems[sc_i % 2])

    n_vec = _CHUNK // _LANES

    def make_add(buf, pos_buf):
        def add_body(i, _):
            for u in range(_UNROLL):
                sl = pl.ds((i * _UNROLL + u) * _LANES, _LANES)
                plsc.addupdate(buf.at[sl], pos_buf[sl])
            return 0
        return add_body

    in_h = {}
    out_h = {}
    pos_h = {}
    pos_h[0] = start_pos(0)
    in_h[0] = start_in(0)
    for s in range(n_steps):
        sc_i, b = s // _BATCH, s % _BATCH
        if s + 1 < n_steps:
            if s - 2 >= 0:
                out_h[s - 2].wait()
            in_h[s + 1] = start_in(s + 1)
        if b == 0 and sc_i + 1 < n_chunks:
            pos_h[sc_i + 1] = start_pos(sc_i + 1)
        in_h[s].wait()
        if b == 0:
            pos_h[sc_i].wait()
        lax.fori_loop(0, n_vec // _UNROLL,
                      make_add(in_bufs[s % 3], pos_bufs[sc_i % 2]), 0)
        out_h[s] = start_out(s)
    for s in (n_steps - 3, n_steps - 2, n_steps - 1):
        out_h[s].wait()


def _sc_kernel(input_embeddings, pos_table):
    batch, seq_len, dim = input_embeddings.shape
    n = batch * seq_len * dim
    mesh = plsc.VectorSubcoreMesh(core_axis_name="c", subcore_axis_name="s")
    k = pl.kernel(
        _sc_body,
        out_type=jax.ShapeDtypeStruct((n,), jnp.float32),
        mesh=mesh,
        scratch_types=(
            [pltpu.VMEM((_CHUNK,), jnp.float32)] * 3
            + [pltpu.VMEM((_CHUNK,), jnp.float32)] * 2
            + [pltpu.SemaphoreType.DMA] * 8
        ),
    )
    out = k(input_embeddings.reshape(n), pos_table.reshape(seq_len * dim))
    return out.reshape(batch, seq_len, dim)



_SPLIT = 1792
_TC_SEQ_BLOCK = 896


def _sc_tail_body(in_hbm, pos_hbm, out_hbm,
                  in_v0, in_v1, in_v2, pos_v0,
                  si0, si1, si2, so0, so1, so2, sp0):
    in_bufs = [in_v0, in_v1, in_v2]
    in_sems = [si0, si1, si2]
    out_sems = [so0, so1, so2]
    tail = _SEQ - _SPLIT
    rows_per_w = tail // _NW
    wid = lax.axis_index("s") * _NC + lax.axis_index("c")
    row = _SPLIT + wid * rows_per_w
    chunk = rows_per_w * _DIM

    def start_in(b):
        return pltpu.async_copy(
            in_hbm.at[pl.ds(b * (_SEQ * _DIM) + row * _DIM, chunk)],
            in_bufs[b % 3], in_sems[b % 3])

    def start_out(b):
        return pltpu.async_copy(
            in_bufs[b % 3],
            out_hbm.at[pl.ds(b * (tail * _DIM) + wid * chunk, chunk)],
            out_sems[b % 3])

    n_vec = chunk // _LANES

    def make_add(buf):
        def add_body(i, _):
            for u in range(_UNROLL):
                sl = pl.ds((i * _UNROLL + u) * _LANES, _LANES)
                plsc.addupdate(buf.at[sl], pos_v0[sl])
            return 0
        return add_body

    pos_h = pltpu.async_copy(
        pos_hbm.at[pl.ds(row * _DIM, chunk)], pos_v0, sp0)
    in_h = {0: start_in(0)}
    out_h = {}
    pos_h.wait()
    for b in range(_BATCH):
        if b + 1 < _BATCH:
            in_h[b + 1] = start_in(b + 1)
        in_h[b].wait()
        lax.fori_loop(0, n_vec // _UNROLL, make_add(in_bufs[b % 3]), 0)
        out_h[b] = start_out(b)
    for b in range(1, _BATCH):
        out_h[b].wait()
    out_h[0].wait()


def _hybrid_kernel(input_embeddings, pos_table):
    batch, seq_len, dim = input_embeddings.shape
    n = batch * seq_len * dim
    tail = seq_len - _SPLIT

    mesh = plsc.VectorSubcoreMesh(core_axis_name="c", subcore_axis_name="s")
    sc_k = pl.kernel(
        _sc_tail_body,
        out_type=jax.ShapeDtypeStruct((batch * tail * dim,), jnp.float32),
        mesh=mesh,
        scratch_types=(
            [pltpu.VMEM(((tail // _NW) * dim,), jnp.float32)] * 4
            + [pltpu.SemaphoreType.DMA] * 7
        ),
    )
    out_sc = sc_k(input_embeddings.reshape(n), pos_table.reshape(seq_len * dim))
    out_sc = out_sc.reshape(batch, tail, dim)

    s_blocks = _SPLIT // _TC_SEQ_BLOCK
    out_tc = pl.pallas_call(
        _add_kernel,
        grid=(s_blocks, batch),
        in_specs=[
            pl.BlockSpec((1, _TC_SEQ_BLOCK, dim), lambda s, b: (b, s, 0)),
            pl.BlockSpec((_TC_SEQ_BLOCK, dim), lambda s, b: (s, 0)),
        ],
        out_specs=pl.BlockSpec((1, _TC_SEQ_BLOCK, dim), lambda s, b: (b, s, 0)),
        out_shape=jax.ShapeDtypeStruct((batch, _SPLIT, dim), input_embeddings.dtype),
        compiler_params=pltpu.CompilerParams(
            dimension_semantics=("parallel", "parallel"),
        ),
    )(input_embeddings, pos_table)

    return jnp.concatenate([out_tc, out_sc], axis=1)


def kernel(input_embeddings, pos_table):
    return _hybrid_kernel(input_embeddings, pos_table)

# --- scband reference (transcript-rebuilt; emitter-appended) ---
"""Pipeline reference for scband-learned-positional-encoding-6880537608807 (READ-ONLY COPY).

The authoritative reference and input builder live on the scoring server;
editing this copy changes nothing except your own understanding.
"""

import jax, jax.numpy as jnp
import numpy as np

MAX_SEQ_LEN = 2048
EMBEDDING_DIM = 2048

def setup_inputs(seed: int = 0) -> dict:
    key = jax.random.key(seed)
    k1, k2 = jax.random.split(key)
    input_embeddings = jax.random.normal(k1, (4, 2048, EMBEDDING_DIM), dtype=jnp.float32)
    pos_table = jax.random.normal(k2, (MAX_SEQ_LEN, EMBEDDING_DIM), dtype=jnp.float32)
    return {"input_embeddings": input_embeddings, "pos_table": pos_table}

def reference(input_embeddings, pos_table):
    seq_len = input_embeddings.shape[1]
    positions = jnp.arange(seq_len)[None, :]  # [1, seq_len]
    positional_embeddings = jnp.take(pos_table, positions, axis=0)  # [1, seq_len, D]
    return input_embeddings + positional_embeddings

if __name__ == "__main__":
    import jax
    _d = setup_inputs()
    print(jax.jit(kernel)(*tuple(_d.values())))

</pallas_src>

<mosaic_0001>
#map = affine_map<(d0, d1) -> (0)>
module attributes {stable_mosaic.version = 14 : i64} {
  func.func @_sc_tail_body(%arg0: i32, %arg1: i32, %arg2: memref<16777216xf32, #tpu.memory_space<hbm>>, %arg3: memref<4194304xf32, #tpu.memory_space<hbm>>, %arg4: memref<2097152xf32, #tpu.memory_space<hbm>>, %arg5: memref<16384xf32, #tpu.memory_space<vmem>>, %arg6: memref<16384xf32, #tpu.memory_space<vmem>>, %arg7: memref<16384xf32, #tpu.memory_space<vmem>>, %arg8: memref<16384xf32, #tpu.memory_space<vmem>>, %arg9: memref<!tpu.dma_semaphore, #tpu.memory_space<semaphore_mem>>, %arg10: memref<!tpu.dma_semaphore, #tpu.memory_space<semaphore_mem>>, %arg11: memref<!tpu.dma_semaphore, #tpu.memory_space<semaphore_mem>>, %arg12: memref<!tpu.dma_semaphore, #tpu.memory_space<semaphore_mem>>, %arg13: memref<!tpu.dma_semaphore, #tpu.memory_space<semaphore_mem>>, %arg14: memref<!tpu.dma_semaphore, #tpu.memory_space<semaphore_mem>>, %arg15: memref<!tpu.dma_semaphore, #tpu.memory_space<semaphore_mem>>) attributes {dimension_semantics = [#tpu.dimension_semantics<core_parallel>, #tpu.dimension_semantics<subcore_parallel>], iteration_bounds = array<i64: 2, 16>, scalar_prefetch = 0 : i64, scratch_operands = 11 : i64, tpu.core_type = #tpu.core_type<sc_vector_subcore>, window_params = [{transform_indices = #map}, {transform_indices = #map}, {transform_indices = #map}]} {
    %mul3A = arith.constant 2 : i32
    %mul3A_0 = arith.muli %arg1, %mul3A : i32
    %add3A = arith.addi %mul3A_0, %arg0 : i32
    %mul3A_1 = arith.constant 8 : i32
    %mul3A_2 = arith.muli %add3A, %mul3A_1 : i32
    %add3A_3 = arith.constant 1792 : i32
    %add3A_4 = arith.addi %add3A_3, %mul3A_2 : i32
    %mul3A_5 = arith.constant 2048 : i32
    %mul3A_6 = arith.muli %add3A_4, %mul3A_5 : i32
    %dma_start3A = tpu.memref_slice %arg3[%mul3A_6] : memref<4194304xf32, #tpu.memory_space<hbm>> -> memref<16384xf32, #tpu.memory_space<hbm>>
    %dma_start3A_7 = tpu.memref_slice %arg3[%mul3A_6] : memref<4194304xf32, #tpu.memory_space<hbm>> -> memref<16384xf32, #tpu.memory_space<hbm>>
    tpu.enqueue_dma source(%dma_start3A_7 : memref<16384xf32, #tpu.memory_space<hbm>>) target(%arg8 : memref<16384xf32, #tpu.memory_space<vmem>>) target_semaphore(%arg15 : memref<!tpu.dma_semaphore, #tpu.memory_space<semaphore_mem>>)
    %mul3A_8 = arith.constant 2048 : i32
    %mul3A_9 = arith.muli %add3A_4, %mul3A_8 : i32
    %add3A_10 = arith.constant 0 : i32
    %add3A_11 = arith.addi %add3A_10, %mul3A_9 : i32
    %dma_start3A_12 = tpu.memref_slice %arg2[%add3A_11] : memref<16777216xf32, #tpu.memory_space<hbm>> -> memref<16384xf32, #tpu.memory_space<hbm>>
    %dma_start3A_13 = tpu.memref_slice %arg2[%add3A_11] : memref<16777216xf32, #tpu.memory_space<hbm>> -> memref<16384xf32, #tpu.memory_space<hbm>>
    tpu.enqueue_dma source(%dma_start3A_13 : memref<16384xf32, #tpu.memory_space<hbm>>) target(%arg5 : memref<16384xf32, #tpu.memory_space<vmem>>) target_semaphore(%arg9 : memref<!tpu.dma_semaphore, #tpu.memory_space<semaphore_mem>>)
    %dma_wait3A = tpu.memref_slice %arg3[%mul3A_6] : memref<4194304xf32, #tpu.memory_space<hbm>> -> memref<16384xf32, #tpu.memory_space<hbm>>
    %dma_wait3A_14 = tpu.memref_slice %arg3[%mul3A_6] : memref<4194304xf32, #tpu.memory_space<hbm>> -> memref<16384xf32, #tpu.memory_space<hbm>>
    tpu.wait_dma2 semaphore(%arg15 : memref<!tpu.dma_semaphore, #tpu.memory_space<semaphore_mem>>) src(%dma_wait3A_14 : memref<16384xf32, #tpu.memory_space<hbm>>) dst(%arg8 : memref<16384xf32, #tpu.memory_space<vmem>>)
    %mul3A_15 = arith.constant 2048 : i32
    %mul3A_16 = arith.muli %add3A_4, %mul3A_15 : i32
    %add3A_17 = arith.constant 4194304 : i32
    %add3A_18 = arith.addi %add3A_17, %mul3A_16 : i32
    %dma_start3A_19 = tpu.memref_slice %arg2[%add3A_18] : memref<16777216xf32, #tpu.memory_space<hbm>> -> memref<16384xf32, #tpu.memory_space<hbm>>
    %dma_start3A_20 = tpu.memref_slice %arg2[%add3A_18] : memref<16777216xf32, #tpu.memory_space<hbm>> -> memref<16384xf32, #tpu.memory_space<hbm>>
    tpu.enqueue_dma source(%dma_start3A_20 : memref<16384xf32, #tpu.memory_space<hbm>>) target(%arg6 : memref<16384xf32, #tpu.memory_space<vmem>>) target_semaphore(%arg10 : memref<!tpu.dma_semaphore, #tpu.memory_space<semaphore_mem>>)
    %dma_wait3A_21 = tpu.memref_slice %arg2[%add3A_11] : memref<16777216xf32, #tpu.memory_space<hbm>> -> memref<16384xf32, #tpu.memory_space<hbm>>
    %dma_wait3A_22 = tpu.memref_slice %arg2[%add3A_11] : memref<16777216xf32, #tpu.memory_space<hbm>> -> memref<16384xf32, #tpu.memory_space<hbm>>
    tpu.wait_dma2 semaphore(%arg9 : memref<!tpu.dma_semaphore, #tpu.memory_space<semaphore_mem>>) src(%dma_wait3A_22 : memref<16384xf32, #tpu.memory_space<hbm>>) dst(%arg5 : memref<16384xf32, #tpu.memory_space<vmem>>)
    %scan3A = arith.constant 0 : i32
    %scan3A_23 = arith.constant 0 : i32
    %scan3A_24 = arith.constant 128 : i32
    %scan3A_25 = arith.addi %scan3A_23, %scan3A_24 : i32
    %scan3A_26 = arith.constant 1 : i32
    %scan3A_27 = scf.for %scan3A_100 = %scan3A_23 to %scan3A_25 step %scan3A_26 iter_args(%scan3A_101 = %scan3A) -> (i32)  : i32 {
      %mul3A_102 = arith.constant 8 : i32
      %mul3A_103 = arith.muli %scan3A_100, %mul3A_102 : i32
      %add3A_104 = arith.constant 0 : i32
      %add3A_105 = arith.addi %mul3A_103, %add3A_104 : i32
      %mul3A_106 = arith.constant 16 : i32
      %mul3A_107 = arith.muli %add3A_105, %mul3A_106 : i32
      %get3A = arith.index_cast %mul3A_107 : i32 to index
      %get3A_108 = tpu.vector_load %arg8[%get3A] {strides = array<i32>} : memref<16384xf32, #tpu.memory_space<vmem>>, vector<16xf32>,
      %get3A_109 = vector.shape_cast %get3A_108 : vector<16xf32> to vector<16xf32>
      %swap3A = arith.index_cast %mul3A_107 : i32 to index
      %swap3A_110 = tpu.vector_load %arg5[%swap3A] {strides = array<i32>} : memref<16384xf32, #tpu.memory_space<vmem>>, vector<16xf32>,
      %swap3A_111 = vector.shape_cast %swap3A_110 : vector<16xf32> to vector<16xf32>
      %swap3A_112 = vector.shape_cast %get3A_109 : vector<16xf32> to vector<16xf32>
      tpu.vector_store %arg5[%swap3A], %swap3A_112 {add = true, strides = array<i32>} : memref<16384xf32, #tpu.memory_space<vmem>>, vector<16xf32>,
      %mul3A_113 = arith.constant 8 : i32
      %mul3A_114 = arith.muli %scan3A_100, %mul3A_113 : i32
      %add3A_115 = arith.constant 1 : i32
      %add3A_116 = arith.addi %mul3A_114, %add3A_115 : i32
      %mul3A_117 = arith.constant 16 : i32
      %mul3A_118 = arith.muli %add3A_116, %mul3A_117 : i32
      %get3A_119 = arith.index_cast %mul3A_118 : i32 to index
      %get3A_120 = tpu.vector_load %arg8[%get3A_119] {strides = array<i32>} : memref<16384xf32, #tpu.memory_space<vmem>>, vector<16xf32>,
      %get3A_121 = vector.shape_cast %get3A_120 : vector<16xf32> to vector<16xf32>
      %swap3A_122 = arith.index_cast %mul3A_118 : i32 to index
      %swap3A_123 = tpu.vector_load %arg5[%swap3A_122] {strides = array<i32>} : memref<16384xf32, #tpu.memory_space<vmem>>, vector<16xf32>,
      %swap3A_124 = vector.shape_cast %swap3A_123 : vector<16xf32> to vector<16xf32>
      %swap3A_125 = vector.shape_cast %get3A_121 : vector<16xf32> to vector<16xf32>
      tpu.vector_store %arg5[%swap3A_122], %swap3A_125 {add = true, strides = array<i32>} : memref<16384xf32, #tpu.memory_space<vmem>>, vector<16xf32>,
      %mul3A_126 = arith.constant 8 : i32
      %mul3A_127 = arith.muli %scan3A_100, %mul3A_126 : i32
      %add3A_128 = arith.constant 2 : i32
      %add3A_129 = arith.addi %mul3A_127, %add3A_128 : i32
      %mul3A_130 = arith.constant 16 : i32
      %mul3A_131 = arith.muli %add3A_129, %mul3A_130 : i32
      %get3A_132 = arith.index_cast %mul3A_131 : i32 to index
      %get3A_133 = tpu.vector_load %arg8[%get3A_132] {strides = array<i32>} : memref<16384xf32, #tpu.memory_space<vmem>>, vector<16xf32>,
      %get3A_134 = vector.shape_cast %get3A_133 : vector<16xf32> to vector<16xf32>
      %swap3A_135 = arith.index_cast %mul3A_131 : i32 to index
      %swap3A_136 = tpu.vector_load %arg5[%swap3A_135] {strides = array<i32>} : memref<16384xf32, #tpu.memory_space<vmem>>, vector<16xf32>,
      %swap3A_137 = vector.shape_cast %swap3A_136 : vector<16xf32> to vector<16xf32>
      %swap3A_138 = vector.shape_cast %get3A_134 : vector<16xf32> to vector<16xf32>
      tpu.vector_store %arg5[%swap3A_135], %swap3A_138 {add = true, strides = array<i32>} : memref<16384xf32, #tpu.memory_space<vmem>>, vector<16xf32>,
      %mul3A_139 = arith.constant 8 : i32
      %mul3A_140 = arith.muli %scan3A_100, %mul3A_139 : i32
      %add3A_141 = arith.constant 3 : i32
      %add3A_142 = arith.addi %mul3A_140, %add3A_141 : i32
      %mul3A_143 = arith.constant 16 : i32
      %mul3A_144 = arith.muli %add3A_142, %mul3A_143 : i32
      %get3A_145 = arith.index_cast %mul3A_144 : i32 to index
      %get3A_146 = tpu.vector_load %arg8[%get3A_145] {strides = array<i32>} : memref<16384xf32, #tpu.memory_space<vmem>>, vector<16xf32>,
      %get3A_147 = vector.shape_cast %get3A_146 : vector<16xf32> to vector<16xf32>
      %swap3A_148 = arith.index_cast %mul3A_144 : i32 to index
      %swap3A_149 = tpu.vector_load %arg5[%swap3A_148] {strides = array<i32>} : memref<16384xf32, #tpu.memory_space<vmem>>, vector<16xf32>,
      %swap3A_150 = vector.shape_cast %swap3A_149 : vector<16xf32> to vector<16xf32>
      %swap3A_151 = vector.shape_cast %get3A_147 : vector<16xf32> to vector<16xf32>
      tpu.vector_store %arg5[%swap3A_148], %swap3A_151 {add = true, strides = array<i32>} : memref<16384xf32, #tpu.memory_space<vmem>>, vector<16xf32>,
      %mul3A_152 = arith.constant 8 : i32
      %mul3A_153 = arith.muli %scan3A_100, %mul3A_152 : i32
      %add3A_154 = arith.constant 4 : i32
      %add3A_155 = arith.addi %mul3A_153, %add3A_154 : i32
      %mul3A_156 = arith.constant 16 : i32
      %mul3A_157 = arith.muli %add3A_155, %mul3A_156 : i32
      %get3A_158 = arith.index_cast %mul3A_157 : i32 to index
      %get3A_159 = tpu.vector_load %arg8[%get3A_158] {strides = array<i32>} : memref<16384xf32, #tpu.memory_space<vmem>>, vector<16xf32>,
      %get3A_160 = vector.shape_cast %get3A_159 : vector<16xf32> to vector<16xf32>
      %swap3A_161 = arith.index_cast %mul3A_157 : i32 to index
      %swap3A_162 = tpu.vector_load %arg5[%swap3A_161] {strides = array<i32>} : memref<16384xf32, #tpu.memory_space<vmem>>, vector<16xf32>,
      %swap3A_163 = vector.shape_cast %swap3A_162 : vector<16xf32> to vector<16xf32>
      %swap3A_164 = vector.shape_cast %get3A_160 : vector<16xf32> to vector<16xf32>
      tpu.vector_store %arg5[%swap3A_161], %swap3A_164 {add = true, strides = array<i32>} : memref<16384xf32, #tpu.memory_space<vmem>>, vector<16xf32>,
      %mul3A_165 = arith.constant 8 : i32
      %mul3A_166 = arith.muli %scan3A_100, %mul3A_165 : i32
      %add3A_167 = arith.constant 5 : i32
      %add3A_168 = arith.addi %mul3A_166, %add3A_167 : i32
      %mul3A_169 = arith.constant 16 : i32
      %mul3A_170 = arith.muli %add3A_168, %mul3A_169 : i32
      %get3A_171 = arith.index_cast %mul3A_170 : i32 to index
      %get3A_172 = tpu.vector_load %arg8[%get3A_171] {strides = array<i32>} : memref<16384xf32, #tpu.memory_space<vmem>>, vector<16xf32>,
      %get3A_173 = vector.shape_cast %get3A_172 : vector<16xf32> to vector<16xf32>
      %swap3A_174 = arith.index_cast %mul3A_170 : i32 to index
      %swap3A_175 = tpu.vector_load %arg5[%swap3A_174] {strides = array<i32>} : memref<16384xf32, #tpu.memory_space<vmem>>, vector<16xf32>,
      %swap3A_176 = vector.shape_cast %swap3A_175 : vector<16xf32> to vector<16xf32>
      %swap3A_177 = vector.shape_cast %get3A_173 : vector<16xf32> to vector<16xf32>
      tpu.vector_store %arg5[%swap3A_174], %swap3A_177 {add = true, strides = array<i32>} : memref<16384xf32, #tpu.memory_space<vmem>>, vector<16xf32>,
      %mul3A_178 = arith.constant 8 : i32
      %mul3A_179 = arith.muli %scan3A_100, %mul3A_178 : i32
      %add3A_180 = arith.constant 6 : i32
      %add3A_181 = arith.addi %mul3A_179, %add3A_180 : i32
      %mul3A_182 = arith.constant 16 : i32
      %mul3A_183 = arith.muli %add3A_181, %mul3A_182 : i32
      %get3A_184 = arith.index_cast %mul3A_183 : i32 to index
      %get3A_185 = tpu.vector_load %arg8[%get3A_184] {strides = array<i32>} : memref<16384xf32, #tpu.memory_space<vmem>>, vector<16xf32>,
      %get3A_186 = vector.shape_cast %get3A_185 : vector<16xf32> to vector<16xf32>
      %swap3A_187 = arith.index_cast %mul3A_183 : i32 to index
      %swap3A_188 = tpu.vector_load %arg5[%swap3A_187] {strides = array<i32>} : memref<16384xf32, #tpu.memory_space<vmem>>, vector<16xf32>,
      %swap3A_189 = vector.shape_cast %swap3A_188 : vector<16xf32> to vector<16xf32>
      %swap3A_190 = vector.shape_cast %get3A_186 : vector<16xf32> to vector<16xf32>
      tpu.vector_store %arg5[%swap3A_187], %swap3A_190 {add = true, strides = array<i32>} : memref<16384xf32, #tpu.memory_space<vmem>>, vector<16xf32>,
      %mul3A_191 = arith.constant 8 : i32
      %mul3A_192 = arith.muli %scan3A_100, %mul3A_191 : i32
      %add3A_193 = arith.constant 7 : i32
      %add3A_194 = arith.addi %mul3A_192, %add3A_193 : i32
      %mul3A_195 = arith.constant 16 : i32
      %mul3A_196 = arith.muli %add3A_194, %mul3A_195 : i32
      %get3A_197 = arith.index_cast %mul3A_196 : i32 to index
      %get3A_198 = tpu.vector_load %arg8[%get3A_197] {strides = array<i32>} : memref<16384xf32, #tpu.memory_space<vmem>>, vector<16xf32>,
      %get3A_199 = vector.shape_cast %get3A_198 : vector<16xf32> to vector<16xf32>
      %swap3A_200 = arith.index_cast %mul3A_196 : i32 to index
      %swap3A_201 = tpu.vector_load %arg5[%swap3A_200] {strides = array<i32>} : memref<16384xf32, #tpu.memory_space<vmem>>, vector<16xf32>,
      %swap3A_202 = vector.shape_cast %swap3A_201 : vector<16xf32> to vector<16xf32>
      %swap3A_203 = vector.shape_cast %get3A_199 : vector<16xf32> to vector<16xf32>
      tpu.vector_store %arg5[%swap3A_200], %swap3A_203 {add = true, strides = array<i32>} : memref<16384xf32, #tpu.memory_space<vmem>>, vector<16xf32>,
      %scan3A_204 = arith.constant 0 : i32
      scf.yield %scan3A_204 : i32
    }
    %scan3A_28 = arith.constant 128 : i32
    %mul3A_29 = arith.constant 16384 : i32
    %mul3A_30 = arith.muli %add3A, %mul3A_29 : i32
    %add3A_31 = arith.constant 0 : i32
    %add3A_32 = arith.addi %add3A_31, %mul3A_30 : i32
    %dma_start3A_33 = tpu.memref_slice %arg4[%add3A_32] : memref<2097152xf32, #tpu.memory_space<hbm>> -> memref<16384xf32, #tpu.memory_space<hbm>>
    %dma_start3A_34 = tpu.memref_slice %arg4[%add3A_32] : memref<2097152xf32, #tpu.memory_space<hbm>> -> memref<16384xf32, #tpu.memory_space<hbm>>
    tpu.enqueue_dma source(%arg5 : memref<16384xf32, #tpu.memory_space<vmem>>) target(%dma_start3A_34 : memref<16384xf32, #tpu.memory_space<hbm>>) target_semaphore(%arg12 : memref<!tpu.dma_semaphore, #tpu.memory_space<semaphore_mem>>)
    %mul3A_35 = arith.constant 2048 : i32
    %mul3A_36 = arith.muli %add3A_4, %mul3A_35 : i32
    %add3A_37 = arith.constant 8388608 : i32
    %add3A_38 = arith.addi %add3A_37, %mul3A_36 : i32
    %dma_start3A_39 = tpu.memref_slice %arg2[%add3A_38] : memref<16777216xf32, #tpu.memory_space<hbm>> -> memref<16384xf32, #tpu.memory_space<hbm>>
    %dma_start3A_40 = tpu.memref_slice %arg2[%add3A_38] : memref<16777216xf32, #tpu.memory_space<hbm>> -> memref<16384xf32, #tpu.memory_space<hbm>>
    tpu.enqueue_dma source(%dma_start3A_40 : memref<16384xf32, #tpu.memory_space<hbm>>) target(%arg7 : memref<16384xf32, #tpu.memory_space<vmem>>) target_semaphore(%arg11 : memref<!tpu.dma_semaphore, #tpu.memory_space<semaphore_mem>>)
    %dma_wait3A_41 = tpu.memref_slice %arg2[%add3A_18] : memref<16777216xf32, #tpu.memory_space<hbm>> -> memref<16384xf32, #tpu.memory_space<hbm>>
    %dma_wait3A_42 = tpu.memref_slice %arg2[%add3A_18] : memref<16777216xf32, #tpu.memory_space<hbm>> -> memref<16384xf32, #tpu.memory_space<hbm>>
    tpu.wait_dma2 semaphore(%arg10 : memref<!tpu.dma_semaphore, #tpu.memory_space<semaphore_mem>>) src(%dma_wait3A_42 : memref<16384xf32, #tpu.memory_space<hbm>>) dst(%arg6 : memref<16384xf32, #tpu.memory_space<vmem>>)
    %scan3A_43 = arith.constant 0 : i32
    %scan3A_44 = arith.constant 0 : i32
    %scan3A_45 = arith.constant 128 : i32
    %scan3A_46 = arith.addi %scan3A_44, %scan3A_45 : i32
    %scan3A_47 = arith.constant 1 : i32
    %scan3A_48 = scf.for %scan3A_100 = %scan3A_44 to %scan3A_46 step %scan3A_47 iter_args(%scan3A_101 = %scan3A_43) -> (i32)  : i32 {
      %mul3A_102 = arith.constant 8 : i32
      %mul3A_103 = arith.muli %scan3A_100, %mul3A_102 : i32
      %add3A_104 = arith.constant 0 : i32
      %add3A_105 = arith.addi %mul3A_103, %add3A_104 : i32
      %mul3A_106 = arith.constant 16 : i32
      %mul3A_107 = arith.muli %add3A_105, %mul3A_106 : i32
      %get3A = arith.index_cast %mul3A_107 : i32 to index
      %get3A_108 = tpu.vector_load %arg8[%get3A] {strides = array<i32>} : memref<16384xf32, #tpu.memory_space<vmem>>, vector<16xf32>,
      %get3A_109 = vector.shape_cast %get3A_108 : vector<16xf32> to vector<16xf32>
      %swap3A = arith.index_cast %mul3A_107 : i32 to index
      %swap3A_110 = tpu.vector_load %arg6[%swap3A] {strides = array<i32>} : memref<16384xf32, #tpu.memory_space<vmem>>, vector<16xf32>,
      %swap3A_111 = vector.shape_cast %swap3A_110 : vector<16xf32> to vector<16xf32>
      %swap3A_112 = vector.shape_cast %get3A_109 : vector<16xf32> to vector<16xf32>
      tpu.vector_store %arg6[%swap3A], %swap3A_112 {add = true, strides = array<i32>} : memref<16384xf32, #tpu.memory_space<vmem>>, vector<16xf32>,
      %mul3A_113 = arith.constant 8 : i32
      %mul3A_114 = arith.muli %scan3A_100, %mul3A_113 : i32
      %add3A_115 = arith.constant 1 : i32
      %add3A_116 = arith.addi %mul3A_114, %add3A_115 : i32
      %mul3A_117 = arith.constant 16 : i32
      %mul3A_118 = arith.muli %add3A_116, %mul3A_117 : i32
      %get3A_119 = arith.index_cast %mul3A_118 : i32 to index
      %get3A_120 = tpu.vector_load %arg8[%get3A_119] {strides = array<i32>} : memref<16384xf32, #tpu.memory_space<vmem>>, vector<16xf32>,
      %get3A_121 = vector.shape_cast %get3A_120 : vector<16xf32> to vector<16xf32>
      %swap3A_122 = arith.index_cast %mul3A_118 : i32 to index
      %swap3A_123 = tpu.vector_load %arg6[%swap3A_122] {strides = array<i32>} : memref<16384xf32, #tpu.memory_space<vmem>>, vector<16xf32>,
      %swap3A_124 = vector.shape_cast %swap3A_123 : vector<16xf32> to vector<16xf32>
      %swap3A_125 = vector.shape_cast %get3A_121 : vector<16xf32> to vector<16xf32>
      tpu.vector_store %arg6[%swap3A_122], %swap3A_125 {add = true, strides = array<i32>} : memref<16384xf32, #tpu.memory_space<vmem>>, vector<16xf32>,
      %mul3A_126 = arith.constant 8 : i32
      %mul3A_127 = arith.muli %scan3A_100, %mul3A_126 : i32
      %add3A_128 = arith.constant 2 : i32
      %add3A_129 = arith.addi %mul3A_127, %add3A_128 : i32
      %mul3A_130 = arith.constant 16 : i32
      %mul3A_131 = arith.muli %add3A_129, %mul3A_130 : i32
      %get3A_132 = arith.index_cast %mul3A_131 : i32 to index
      %get3A_133 = tpu.vector_load %arg8[%get3A_132] {strides = array<i32>} : memref<16384xf32, #tpu.memory_space<vmem>>, vector<16xf32>,
      %get3A_134 = vector.shape_cast %get3A_133 : vector<16xf32> to vector<16xf32>
      %swap3A_135 = arith.index_cast %mul3A_131 : i32 to index
      %swap3A_136 = tpu.vector_load %arg6[%swap3A_135] {strides = array<i32>} : memref<16384xf32, #tpu.memory_space<vmem>>, vector<16xf32>,
      %swap3A_137 = vector.shape_cast %swap3A_136 : vector<16xf32> to vector<16xf32>
      %swap3A_138 = vector.shape_cast %get3A_134 : vector<16xf32> to vector<16xf32>
      tpu.vector_store %arg6[%swap3A_135], %swap3A_138 {add = true, strides = array<i32>} : memref<16384xf32, #tpu.memory_space<vmem>>, vector<16xf32>,
      %mul3A_139 = arith.constant 8 : i32
      %mul3A_140 = arith.muli %scan3A_100, %mul3A_139 : i32
      %add3A_141 = arith.constant 3 : i32
      %add3A_142 = arith.addi %mul3A_140, %add3A_141 : i32
      %mul3A_143 = arith.constant 16 : i32
      %mul3A_144 = arith.muli %add3A_142, %mul3A_143 : i32
      %get3A_145 = arith.index_cast %mul3A_144 : i32 to index
      %get3A_146 = tpu.vector_load %arg8[%get3A_145] {strides = array<i32>} : memref<16384xf32, #tpu.memory_space<vmem>>, vector<16xf32>,
      %get3A_147 = vector.shape_cast %get3A_146 : vector<16xf32> to vector<16xf32>
      %swap3A_148 = arith.index_cast %mul3A_144 : i32 to index
      %swap3A_149 = tpu.vector_load %arg6[%swap3A_148] {strides = array<i32>} : memref<16384xf32, #tpu.memory_space<vmem>>, vector<16xf32>,
      %swap3A_150 = vector.shape_cast %swap3A_149 : vector<16xf32> to vector<16xf32>
      %swap3A_151 = vector.shape_cast %get3A_147 : vector<16xf32> to vector<16xf32>
      tpu.vector_store %arg6[%swap3A_148], %swap3A_151 {add = true, strides = array<i32>} : memref<16384xf32, #tpu.memory_space<vmem>>, vector<16xf32>,
      %mul3A_152 = arith.constant 8 : i32
      %mul3A_153 = arith.muli %scan3A_100, %mul3A_152 : i32
      %add3A_154 = arith.constant 4 : i32
      %add3A_155 = arith.addi %mul3A_153, %add3A_154 : i32
      %mul3A_156 = arith.constant 16 : i32
      %mul3A_157 = arith.muli %add3A_155, %mul3A_156 : i32
      %get3A_158 = arith.index_cast %mul3A_157 : i32 to index
      %get3A_159 = tpu.vector_load %arg8[%get3A_158] {strides = array<i32>} : memref<16384xf32, #tpu.memory_space<vmem>>, vector<16xf32>,
      %get3A_160 = vector.shape_cast %get3A_159 : vector<16xf32> to vector<16xf32>
      %swap3A_161 = arith.index_cast %mul3A_157 : i32 to index
      %swap3A_162 = tpu.vector_load %arg6[%swap3A_161] {strides = array<i32>} : memref<16384xf32, #tpu.memory_space<vmem>>, vector<16xf32>,
      %swap3A_163 = vector.shape_cast %swap3A_162 : vector<16xf32> to vector<16xf32>
      %swap3A_164 = vector.shape_cast %get3A_160 : vector<16xf32> to vector<16xf32>
      tpu.vector_store %arg6[%swap3A_161], %swap3A_164 {add = true, strides = array<i32>} : memref<16384xf32, #tpu.memory_space<vmem>>, vector<16xf32>,
      %mul3A_165 = arith.constant 8 : i32
      %mul3A_166 = arith.muli %scan3A_100, %mul3A_165 : i32
      %add3A_167 = arith.constant 5 : i32
      %add3A_168 = arith.addi %mul3A_166, %add3A_167 : i32
      %mul3A_169 = arith.constant 16 : i32
      %mul3A_170 = arith.muli %add3A_168, %mul3A_169 : i32
      %get3A_171 = arith.index_cast %mul3A_170 : i32 to index
      %get3A_172 = tpu.vector_load %arg8[%get3A_171] {strides = array<i32>} : memref<16384xf32, #tpu.memory_space<vmem>>, vector<16xf32>,
      %get3A_173 = vector.shape_cast %get3A_172 : vector<16xf32> to vector<16xf32>
      %swap3A_174 = arith.index_cast %mul3A_170 : i32 to index
      %swap3A_175 = tpu.vector_load %arg6[%swap3A_174] {strides = array<i32>} : memref<16384xf32, #tpu.memory_space<vmem>>, vector<16xf32>,
      %swap3A_176 = vector.shape_cast %swap3A_175 : vector<16xf32> to vector<16xf32>
      %swap3A_177 = vector.shape_cast %get3A_173 : vector<16xf32> to vector<16xf32>
      tpu.vector_store %arg6[%swap3A_174], %swap3A_177 {add = true, strides = array<i32>} : memref<16384xf32, #tpu.memory_space<vmem>>, vector<16xf32>,
      %mul3A_178 = arith.constant 8 : i32
      %mul3A_179 = arith.muli %scan3A_100, %mul3A_178 : i32
      %add3A_180 = arith.constant 6 : i32
      %add3A_181 = arith.addi %mul3A_179, %add3A_180 : i32
      %mul3A_182 = arith.constant 16 : i32
      %mul3A_183 = arith.muli %add3A_181, %mul3A_182 : i32
      %get3A_184 = arith.index_cast %mul3A_183 : i32 to index
      %get3A_185 = tpu.vector_load %arg8[%get3A_184] {strides = array<i32>} : memref<16384xf32, #tpu.memory_space<vmem>>, vector<16xf32>,
      %get3A_186 = vector.shape_cast %get3A_185 : vector<16xf32> to vector<16xf32>
      %swap3A_187 = arith.index_cast %mul3A_183 : i32 to index
      %swap3A_188 = tpu.vector_load %arg6[%swap3A_187] {strides = array<i32>} : memref<16384xf32, #tpu.memory_space<vmem>>, vector<16xf32>,
      %swap3A_189 = vector.shape_cast %swap3A_188 : vector<16xf32> to vector<16xf32>
      %swap3A_190 = vector.shape_cast %get3A_186 : vector<16xf32> to vector<16xf32>
      tpu.vector_store %arg6[%swap3A_187], %swap3A_190 {add = true, strides = array<i32>} : memref<16384xf32, #tpu.memory_space<vmem>>, vector<16xf32>,
      %mul3A_191 = arith.constant 8 : i32
      %mul3A_192 = arith.muli %scan3A_100, %mul3A_191 : i32
      %add3A_193 = arith.constant 7 : i32
      %add3A_194 = arith.addi %mul3A_192, %add3A_193 : i32
      %mul3A_195 = arith.constant 16 : i32
      %mul3A_196 = arith.muli %add3A_194, %mul3A_195 : i32
      %get3A_197 = arith.index_cast %mul3A_196 : i32 to index
      %get3A_198 = tpu.vector_load %arg8[%get3A_197] {strides = array<i32>} : memref<16384xf32, #tpu.memory_space<vmem>>, vector<16xf32>,
      %get3A_199 = vector.shape_cast %get3A_198 : vector<16xf32> to vector<16xf32>
      %swap3A_200 = arith.index_cast %mul3A_196 : i32 to index
      %swap3A_201 = tpu.vector_load %arg6[%swap3A_200] {strides = array<i32>} : memref<16384xf32, #tpu.memory_space<vmem>>, vector<16xf32>,
      %swap3A_202 = vector.shape_cast %swap3A_201 : vector<16xf32> to vector<16xf32>
      %swap3A_203 = vector.shape_cast %get3A_199 : vector<16xf32> to vector<16xf32>
      tpu.vector_store %arg6[%swap3A_200], %swap3A_203 {add = true, strides = array<i32>} : memref<16384xf32, #tpu.memory_space<vmem>>, vector<16xf32>,
      %scan3A_204 = arith.constant 0 : i32
      scf.yield %scan3A_204 : i32
    }
    %scan3A_49 = arith.constant 128 : i32
    %mul3A_50 = arith.constant 16384 : i32
    %mul3A_51 = arith.muli %add3A, %mul3A_50 : i32
    %add3A_52 = arith.constant 524288 : i32
    %add3A_53 = arith.addi %add3A_52, %mul3A_51 : i32
    %dma_start3A_54 = tpu.memref_slice %arg4[%add3A_53] : memref<2097152xf32, #tpu.memory_space<hbm>> -> memref<16384xf32, #tpu.memory_space<hbm>>
    %dma_start3A_55 = tpu.memref_slice %arg4[%add3A_53] : memref<2097152xf32, #tpu.memory_space<hbm>> -> memref<16384xf32, #tpu.memory_space<hbm>>
    tpu.enqueue_dma source(%arg6 : memref<16384xf32, #tpu.memory_space<vmem>>) target(%dma_start3A_55 : memref<16384xf32, #tpu.memory_space<hbm>>) target_semaphore(%arg13 : memref<!tpu.dma_semaphore, #tpu.memory_space<semaphore_mem>>)
    %mul3A_56 = arith.constant 2048 : i32
    %mul3A_57 = arith.muli %add3A_4, %mul3A_56 : i32
    %add3A_58 = arith.constant 12582912 : i32
    %add3A_59 = arith.addi %add3A_58, %mul3A_57 : i32
    %dma_start3A_60 = tpu.memref_slice %arg2[%add3A_59] : memref<16777216xf32, #tpu.memory_space<hbm>> -> memref<16384xf32, #tpu.memory_space<hbm>>
    %dma_start3A_61 = tpu.memref_slice %arg2[%add3A_59] : memref<16777216xf32, #tpu.memory_space<hbm>> -> memref<16384xf32, #tpu.memory_space<hbm>>
    tpu.enqueue_dma source(%dma_start3A_61 : memref<16384xf32, #tpu.memory_space<hbm>>) target(%arg5 : memref<16384xf32, #tpu.memory_space<vmem>>) target_semaphore(%arg9 : memref<!tpu.dma_semaphore, #tpu.memory_space<semaphore_mem>>)
    %dma_wait3A_62 = tpu.memref_slice %arg2[%add3A_38] : memref<16777216xf32, #tpu.memory_space<hbm>> -> memref<16384xf32, #tpu.memory_space<hbm>>
    %dma_wait3A_63 = tpu.memref_slice %arg2[%add3A_38] : memref<16777216xf32, #tpu.memory_space<hbm>> -> memref<16384xf32, #tpu.memory_space<hbm>>
    tpu.wait_dma2 semaphore(%arg11 : memref<!tpu.dma_semaphore, #tpu.memory_space<semaphore_mem>>) src(%dma_wait3A_63 : memref<16384xf32, #tpu.memory_space<hbm>>) dst(%arg7 : memref<16384xf32, #tpu.memory_space<vmem>>)
    %scan3A_64 = arith.constant 0 : i32
    %scan3A_65 = arith.constant 0 : i32
    %scan3A_66 = arith.constant 128 : i32
    %scan3A_67 = arith.addi %scan3A_65, %scan3A_66 : i32
    %scan3A_68 = arith.constant 1 : i32
    %scan3A_69 = scf.for %scan3A_100 = %scan3A_65 to %scan3A_67 step %scan3A_68 iter_args(%scan3A_101 = %scan3A_64) -> (i32)  : i32 {
      %mul3A_102 = arith.constant 8 : i32
      %mul3A_103 = arith.muli %scan3A_100, %mul3A_102 : i32
      %add3A_104 = arith.constant 0 : i32
      %add3A_105 = arith.addi %mul3A_103, %add3A_104 : i32
      %mul3A_106 = arith.constant 16 : i32
      %mul3A_107 = arith.muli %add3A_105, %mul3A_106 : i32
      %get3A = arith.index_cast %mul3A_107 : i32 to index
      %get3A_108 = tpu.vector_load %arg8[%get3A] {strides = array<i32>} : memref<16384xf32, #tpu.memory_space<vmem>>, vector<16xf32>,
      %get3A_109 = vector.shape_cast %get3A_108 : vector<16xf32> to vector<16xf32>
      %swap3A = arith.index_cast %mul3A_107 : i32 to index
      %swap3A_110 = tpu.vector_load %arg7[%swap3A] {strides = array<i32>} : memref<16384xf32, #tpu.memory_space<vmem>>, vector<16xf32>,
      %swap3A_111 = vector.shape_cast %swap3A_110 : vector<16xf32> to vector<16xf32>
      %swap3A_112 = vector.shape_cast %get3A_109 : vector<16xf32> to vector<16xf32>
      tpu.vector_store %arg7[%swap3A], %swap3A_112 {add = true, strides = array<i32>} : memref<16384xf32, #tpu.memory_space<vmem>>, vector<16xf32>,
      %mul3A_113 = arith.constant 8 : i32
      %mul3A_114 = arith.muli %scan3A_100, %mul3A_113 : i32
      %add3A_115 = arith.constant 1 : i32
      %add3A_116 = arith.addi %mul3A_114, %add3A_115 : i32
      %mul3A_117 = arith.constant 16 : i32
      %mul3A_118 = arith.muli %add3A_116, %mul3A_117 : i32
      %get3A_119 = arith.index_cast %mul3A_118 : i32 to index
      %get3A_120 = tpu.vector_load %arg8[%get3A_119] {strides = array<i32>} : memref<16384xf32, #tpu.memory_space<vmem>>, vector<16xf32>,
      %get3A_121 = vector.shape_cast %get3A_120 : vector<16xf32> to vector<16xf32>
      %swap3A_122 = arith.index_cast %mul3A_118 : i32 to index
      %swap3A_123 = tpu.vector_load %arg7[%swap3A_122] {strides = array<i32>} : memref<16384xf32, #tpu.memory_space<vmem>>, vector<16xf32>,
      %swap3A_124 = vector.shape_cast %swap3A_123 : vector<16xf32> to vector<16xf32>
      %swap3A_125 = vector.shape_cast %get3A_121 : vector<16xf32> to vector<16xf32>
      tpu.vector_store %arg7[%swap3A_122], %swap3A_125 {add = true, strides = array<i32>} : memref<16384xf32, #tpu.memory_space<vmem>>, vector<16xf32>,
      %mul3A_126 = arith.constant 8 : i32
      %mul3A_127 = arith.muli %scan3A_100, %mul3A_126 : i32
      %add3A_128 = arith.constant 2 : i32
      %add3A_129 = arith.addi %mul3A_127, %add3A_128 : i32
      %mul3A_130 = arith.constant 16 : i32
      %mul3A_131 = arith.muli %add3A_129, %mul3A_130 : i32
      %get3A_132 = arith.index_cast %mul3A_131 : i32 to index
      %get3A_133 = tpu.vector_load %arg8[%get3A_132] {strides = array<i32>} : memref<16384xf32, #tpu.memory_space<vmem>>, vector<16xf32>,
      %get3A_134 = vector.shape_cast %get3A_133 : vector<16xf32> to vector<16xf32>
      %swap3A_135 = arith.index_cast %mul3A_131 : i32 to index
      %swap3A_136 = tpu.vector_load %arg7[%swap3A_135] {strides = array<i32>} : memref<16384xf32, #tpu.memory_space<vmem>>, vector<16xf32>,
      %swap3A_137 = vector.shape_cast %swap3A_136 : vector<16xf32> to vector<16xf32>
      %swap3A_138 = vector.shape_cast %get3A_134 : vector<16xf32> to vector<16xf32>
      tpu.vector_store %arg7[%swap3A_135], %swap3A_138 {add = true, strides = array<i32>} : memref<16384xf32, #tpu.memory_space<vmem>>, vector<16xf32>,
      %mul3A_139 = arith.constant 8 : i32
      %mul3A_140 = arith.muli %scan3A_100, %mul3A_139 : i32
      %add3A_141 = arith.constant 3 : i32
      %add3A_142 = arith.addi %mul3A_140, %add3A_141 : i32
      %mul3A_143 = arith.constant 16 : i32
      %mul3A_144 = arith.muli %add3A_142, %mul3A_143 : i32
      %get3A_145 = arith.index_cast %mul3A_144 : i32 to index
      %get3A_146 = tpu.vector_load %arg8[%get3A_145] {strides = array<i32>} : memref<16384xf32, #tpu.memory_space<vmem>>, vector<16xf32>,
      %get3A_147 = vector.shape_cast %get3A_146 : vector<16xf32> to vector<16xf32>
      %swap3A_148 = arith.index_cast %mul3A_144 : i32 to index
      %swap3A_149 = tpu.vector_load %arg7[%swap3A_148] {strides = array<i32>} : memref<16384xf32, #tpu.memory_space<vmem>>, vector<16xf32>,
      %swap3A_150 = vector.shape_cast %swap3A_149 : vector<16xf32> to vector<16xf32>
      %swap3A_151 = vector.shape_cast %get3A_147 : vector<16xf32> to vector<16xf32>
      tpu.vector_store %arg7[%swap3A_148], %swap3A_151 {add = true, strides = array<i32>} : memref<16384xf32, #tpu.memory_space<vmem>>, vector<16xf32>,
      %mul3A_152 = arith.constant 8 : i32
      %mul3A_153 = arith.muli %scan3A_100, %mul3A_152 : i32
      %add3A_154 = arith.constant 4 : i32
      %add3A_155 = arith.addi %mul3A_153, %add3A_154 : i32
      %mul3A_156 = arith.constant 16 : i32
      %mul3A_157 = arith.muli %add3A_155, %mul3A_156 : i32
      %get3A_158 = arith.index_cast %mul3A_157 : i32 to index
      %get3A_159 = tpu.vector_load %arg8[%get3A_158] {strides = array<i32>} : memref<16384xf32, #tpu.memory_space<vmem>>, vector<16xf32>,
      %get3A_160 = vector.shape_cast %get3A_159 : vector<16xf32> to vector<16xf32>
      %swap3A_161 = arith.index_cast %mul3A_157 : i32 to index
      %swap3A_162 = tpu.vector_load %arg7[%swap3A_161] {strides = array<i32>} : memref<16384xf32, #tpu.memory_space<vmem>>, vector<16xf32>,
      %swap3A_163 = vector.shape_cast %swap3A_162 : vector<16xf32> to vector<16xf32>
      %swap3A_164 = vector.shape_cast %get3A_160 : vector<16xf32> to vector<16xf32>
      tpu.vector_store %arg7[%swap3A_161], %swap3A_164 {add = true, strides = array<i32>} : memref<16384xf32, #tpu.memory_space<vmem>>, vector<16xf32>,
      %mul3A_165 = arith.constant 8 : i32
      %mul3A_166 = arith.muli %scan3A_100, %mul3A_165 : i32
      %add3A_167 = arith.constant 5 : i32
      %add3A_168 = arith.addi %mul3A_166, %add3A_167 : i32
      %mul3A_169 = arith.constant 16 : i32
      %mul3A_170 = arith.muli %add3A_168, %mul3A_169 : i32
      %get3A_171 = arith.index_cast %mul3A_170 : i32 to index
      %get3A_172 = tpu.vector_load %arg8[%get3A_171] {strides = array<i32>} : memref<16384xf32, #tpu.memory_space<vmem>>, vector<16xf32>,
      %get3A_173 = vector.shape_cast %get3A_172 : vector<16xf32> to vector<16xf32>
      %swap3A_174 = arith.index_cast %mul3A_170 : i32 to index
      %swap3A_175 = tpu.vector_load %arg7[%swap3A_174] {strides = array<i32>} : memref<16384xf32, #tpu.memory_space<vmem>>, vector<16xf32>,
      %swap3A_176 = vector.shape_cast %swap3A_175 : vector<16xf32> to vector<16xf32>
      %swap3A_177 = vector.shape_cast %get3A_173 : vector<16xf32> to vector<16xf32>
      tpu.vector_store %arg7[%swap3A_174], %swap3A_177 {add = true, strides = array<i32>} : memref<16384xf32, #tpu.memory_space<vmem>>, vector<16xf32>,
      %mul3A_178 = arith.constant 8 : i32
      %mul3A_179 = arith.muli %scan3A_100, %mul3A_178 : i32
      %add3A_180 = arith.constant 6 : i32
      %add3A_181 = arith.addi %mul3A_179, %add3A_180 : i32
      %mul3A_182 = arith.constant 16 : i32
      %mul3A_183 = arith.muli %add3A_181, %mul3A_182 : i32
      %get3A_184 = arith.index_cast %mul3A_183 : i32 to index
      %get3A_185 = tpu.vector_load %arg8[%get3A_184] {strides = array<i32>} : memref<16384xf32, #tpu.memory_space<vmem>>, vector<16xf32>,
      %get3A_186 = vector.shape_cast %get3A_185 : vector<16xf32> to vector<16xf32>
      %swap3A_187 = arith.index_cast %mul3A_183 : i32 to index
      %swap3A_188 = tpu.vector_load %arg7[%swap3A_187] {strides = array<i32>} : memref<16384xf32, #tpu.memory_space<vmem>>, vector<16xf32>,
      %swap3A_189 = vector.shape_cast %swap3A_188 : vector<16xf32> to vector<16xf32>
      %swap3A_190 = vector.shape_cast %get3A_186 : vector<16xf32> to vector<16xf32>
      tpu.vector_store %arg7[%swap3A_187], %swap3A_190 {add = true, strides = array<i32>} : memref<16384xf32, #tpu.memory_space<vmem>>, vector<16xf32>,
      %mul3A_191 = arith.constant 8 : i32
      %mul3A_192 = arith.muli %scan3A_100, %mul3A_191 : i32
      %add3A_193 = arith.constant 7 : i32
      %add3A_194 = arith.addi %mul3A_192, %add3A_193 : i32
      %mul3A_195 = arith.constant 16 : i32
      %mul3A_196 = arith.muli %add3A_194, %mul3A_195 : i32
      %get3A_197 = arith.index_cast %mul3A_196 : i32 to index
      %get3A_198 = tpu.vector_load %arg8[%get3A_197] {strides = array<i32>} : memref<16384xf32, #tpu.memory_space<vmem>>, vector<16xf32>,
      %get3A_199 = vector.shape_cast %get3A_198 : vector<16xf32> to vector<16xf32>
      %swap3A_200 = arith.index_cast %mul3A_196 : i32 to index
      %swap3A_201 = tpu.vector_load %arg7[%swap3A_200] {strides = array<i32>} : memref<16384xf32, #tpu.memory_space<vmem>>, vector<16xf32>,
      %swap3A_202 = vector.shape_cast %swap3A_201 : vector<16xf32> to vector<16xf32>
      %swap3A_203 = vector.shape_cast %get3A_199 : vector<16xf32> to vector<16xf32>
      tpu.vector_store %arg7[%swap3A_200], %swap3A_203 {add = true, strides = array<i32>} : memref<16384xf32, #tpu.memory_space<vmem>>, vector<16xf32>,
      %scan3A_204 = arith.constant 0 : i32
      scf.yield %scan3A_204 : i32
    }
    %scan3A_70 = arith.constant 128 : i32
    %mul3A_71 = arith.constant 16384 : i32
    %mul3A_72 = arith.muli %add3A, %mul3A_71 : i32
    %add3A_73 = arith.constant 1048576 : i32
    %add3A_74 = arith.addi %add3A_73, %mul3A_72 : i32
    %dma_start3A_75 = tpu.memref_slice %arg4[%add3A_74] : memref<2097152xf32, #tpu.memory_space<hbm>> -> memref<16384xf32, #tpu.memory_space<hbm>>
    %dma_start3A_76 = tpu.memref_slice %arg4[%add3A_74] : memref<2097152xf32, #tpu.memory_space<hbm>> -> memref<16384xf32, #tpu.memory_space<hbm>>
    tpu.enqueue_dma source(%arg7 : memref<16384xf32, #tpu.memory_space<vmem>>) target(%dma_start3A_76 : memref<16384xf32, #tpu.memory_space<hbm>>) target_semaphore(%arg14 : memref<!tpu.dma_semaphore, #tpu.memory_space<semaphore_mem>>)
    %dma_wait3A_77 = tpu.memref_slice %arg2[%add3A_59] : memref<16777216xf32, #tpu.memory_space<hbm>> -> memref<16384xf32, #tpu.memory_space<hbm>>
    %dma_wait3A_78 = tpu.memref_slice %arg2[%add3A_59] : memref<16777216xf32, #tpu.memory_space<hbm>> -> memref<16384xf32, #tpu.memory_space<hbm>>
    tpu.wait_dma2 semaphore(%arg9 : memref<!tpu.dma_semaphore, #tpu.memory_space<semaphore_mem>>) src(%dma_wait3A_78 : memref<16384xf32, #tpu.memory_space<hbm>>) dst(%arg5 : memref<16384xf32, #tpu.memory_space<vmem>>)
    %scan3A_79 = arith.constant 0 : i32
    %scan3A_80 = arith.constant 0 : i32
    %scan3A_81 = arith.constant 128 : i32
    %scan3A_82 = arith.addi %scan3A_80, %scan3A_81 : i32
    %scan3A_83 = arith.constant 1 : i32
    %scan3A_84 = scf.for %scan3A_100 = %scan3A_80 to %scan3A_82 step %scan3A_83 iter_args(%scan3A_101 = %scan3A_79) -> (i32)  : i32 {
      %mul3A_102 = arith.constant 8 : i32
      %mul3A_103 = arith.muli %scan3A_100, %mul3A_102 : i32
      %add3A_104 = arith.constant 0 : i32
      %add3A_105 = arith.addi %mul3A_103, %add3A_104 : i32
      %mul3A_106 = arith.constant 16 : i32
      %mul3A_107 = arith.muli %add3A_105, %mul3A_106 : i32
      %get3A = arith.index_cast %mul3A_107 : i32 to index
      %get3A_108 = tpu.vector_load %arg8[%get3A] {strides = array<i32>} : memref<16384xf32, #tpu.memory_space<vmem>>, vector<16xf32>,
      %get3A_109 = vector.shape_cast %get3A_108 : vector<16xf32> to vector<16xf32>
      %swap3A = arith.index_cast %mul3A_107 : i32 to index
      %swap3A_110 = tpu.vector_load %arg5[%swap3A] {strides = array<i32>} : memref<16384xf32, #tpu.memory_space<vmem>>, vector<16xf32>,
      %swap3A_111 = vector.shape_cast %swap3A_110 : vector<16xf32> to vector<16xf32>
      %swap3A_112 = vector.shape_cast %get3A_109 : vector<16xf32> to vector<16xf32>
      tpu.vector_store %arg5[%swap3A], %swap3A_112 {add = true, strides = array<i32>} : memref<16384xf32, #tpu.memory_space<vmem>>, vector<16xf32>,
      %mul3A_113 = arith.constant 8 : i32
      %mul3A_114 = arith.muli %scan3A_100, %mul3A_113 : i32
      %add3A_115 = arith.constant 1 : i32
      %add3A_116 = arith.addi %mul3A_114, %add3A_115 : i32
      %mul3A_117 = arith.constant 16 : i32
      %mul3A_118 = arith.muli %add3A_116, %mul3A_117 : i32
      %get3A_119 = arith.index_cast %mul3A_118 : i32 to index
      %get3A_120 = tpu.vector_load %arg8[%get3A_119] {strides = array<i32>} : memref<16384xf32, #tpu.memory_space<vmem>>, vector<16xf32>,
      %get3A_121 = vector.shape_cast %get3A_120 : vector<16xf32> to vector<16xf32>
      %swap3A_122 = arith.index_cast %mul3A_118 : i32 to index
      %swap3A_123 = tpu.vector_load %arg5[%swap3A_122] {strides = array<i32>} : memref<16384xf32, #tpu.memory_space<vmem>>, vector<16xf32>,
      %swap3A_124 = vector.shape_cast %swap3A_123 : vector<16xf32> to vector<16xf32>
      %swap3A_125 = vector.shape_cast %get3A_121 : vector<16xf32> to vector<16xf32>
      tpu.vector_store %arg5[%swap3A_122], %swap3A_125 {add = true, strides = array<i32>} : memref<16384xf32, #tpu.memory_space<vmem>>, vector<16xf32>,
      %mul3A_126 = arith.constant 8 : i32
      %mul3A_127 = arith.muli %scan3A_100, %mul3A_126 : i32
      %add3A_128 = arith.constant 2 : i32
      %add3A_129 = arith.addi %mul3A_127, %add3A_128 : i32
      %mul3A_130 = arith.constant 16 : i32
      %mul3A_131 = arith.muli %add3A_129, %mul3A_130 : i32
      %get3A_132 = arith.index_cast %mul3A_131 : i32 to index
      %get3A_133 = tpu.vector_load %arg8[%get3A_132] {strides = array<i32>} : memref<16384xf32, #tpu.memory_space<vmem>>, vector<16xf32>,
      %get3A_134 = vector.shape_cast %get3A_133 : vector<16xf32> to vector<16xf32>
      %swap3A_135 = arith.index_cast %mul3A_131 : i32 to index
      %swap3A_136 = tpu.vector_load %arg5[%swap3A_135] {strides = array<i32>} : memref<16384xf32, #tpu.memory_space<vmem>>, vector<16xf32>,
      %swap3A_137 = vector.shape_cast %swap3A_136 : vector<16xf32> to vector<16xf32>
      %swap3A_138 = vector.shape_cast %get3A_134 : vector<16xf32> to vector<16xf32>
      tpu.vector_store %arg5[%swap3A_135], %swap3A_138 {add = true, strides = array<i32>} : memref<16384xf32, #tpu.memory_space<vmem>>, vector<16xf32>,
      %mul3A_139 = arith.constant 8 : i32
      %mul3A_140 = arith.muli %scan3A_100, %mul3A_139 : i32
      %add3A_141 = arith.constant 3 : i32
      %add3A_142 = arith.addi %mul3A_140, %add3A_141 : i32
      %mul3A_143 = arith.constant 16 : i32
      %mul3A_144 = arith.muli %add3A_142, %mul3A_143 : i32
      %get3A_145 = arith.index_cast %mul3A_144 : i32 to index
      %get3A_146 = tpu.vector_load %arg8[%get3A_145] {strides = array<i32>} : memref<16384xf32, #tpu.memory_space<vmem>>, vector<16xf32>,
      %get3A_147 = vector.shape_cast %get3A_146 : vector<16xf32> to vector<16xf32>
      %swap3A_148 = arith.index_cast %mul3A_144 : i32 to index
      %swap3A_149 = tpu.vector_load %arg5[%swap3A_148] {strides = array<i32>} : memref<16384xf32, #tpu.memory_space<vmem>>, vector<16xf32>,
      %swap3A_150 = vector.shape_cast %swap3A_149 : vector<16xf32> to vector<16xf32>
      %swap3A_151 = vector.shape_cast %get3A_147 : vector<16xf32> to vector<16xf32>
      tpu.vector_store %arg5[%swap3A_148], %swap3A_151 {add = true, strides = array<i32>} : memref<16384xf32, #tpu.memory_space<vmem>>, vector<16xf32>,
      %mul3A_152 = arith.constant 8 : i32
      %mul3A_153 = arith.muli %scan3A_100, %mul3A_152 : i32
      %add3A_154 = arith.constant 4 : i32
      %add3A_155 = arith.addi %mul3A_153, %add3A_154 : i32
      %mul3A_156 = arith.constant 16 : i32
      %mul3A_157 = arith.muli %add3A_155, %mul3A_156 : i32
      %get3A_158 = arith.index_cast %mul3A_157 : i32 to index
      %get3A_159 = tpu.vector_load %arg8[%get3A_158] {strides = array<i32>} : memref<16384xf32, #tpu.memory_space<vmem>>, vector<16xf32>,
      %get3A_160 = vector.shape_cast %get3A_159 : vector<16xf32> to vector<16xf32>
      %swap3A_161 = arith.index_cast %mul3A_157 : i32 to index
      %swap3A_162 = tpu.vector_load %arg5[%swap3A_161] {strides = array<i32>} : memref<16384xf32, #tpu.memory_space<vmem>>, vector<16xf32>,
      %swap3A_163 = vector.shape_cast %swap3A_162 : vector<16xf32> to vector<16xf32>
      %swap3A_164 = vector.shape_cast %get3A_160 : vector<16xf32> to vector<16xf32>
      tpu.vector_store %arg5[%swap3A_161], %swap3A_164 {add = true, strides = array<i32>} : memref<16384xf32, #tpu.memory_space<vmem>>, vector<16xf32>,
      %mul3A_165 = arith.constant 8 : i32
      %mul3A_166 = arith.muli %scan3A_100, %mul3A_165 : i32
      %add3A_167 = arith.constant 5 : i32
      %add3A_168 = arith.addi %mul3A_166, %add3A_167 : i32
      %mul3A_169 = arith.constant 16 : i32
      %mul3A_170 = arith.muli %add3A_168, %mul3A_169 : i32
      %get3A_171 = arith.index_cast %mul3A_170 : i32 to index
      %get3A_172 = tpu.vector_load %arg8[%get3A_171] {strides = array<i32>} : memref<16384xf32, #tpu.memory_space<vmem>>, vector<16xf32>,
      %get3A_173 = vector.shape_cast %get3A_172 : vector<16xf32> to vector<16xf32>
      %swap3A_174 = arith.index_cast %mul3A_170 : i32 to index
      %swap3A_175 = tpu.vector_load %arg5[%swap3A_174] {strides = array<i32>} : memref<16384xf32, #tpu.memory_space<vmem>>, vector<16xf32>,
      %swap3A_176 = vector.shape_cast %swap3A_175 : vector<16xf32> to vector<16xf32>
      %swap3A_177 = vector.shape_cast %get3A_173 : vector<16xf32> to vector<16xf32>
      tpu.vector_store %arg5[%swap3A_174], %swap3A_177 {add = true, strides = array<i32>} : memref<16384xf32, #tpu.memory_space<vmem>>, vector<16xf32>,
      %mul3A_178 = arith.constant 8 : i32
      %mul3A_179 = arith.muli %scan3A_100, %mul3A_178 : i32
      %add3A_180 = arith.constant 6 : i32
      %add3A_181 = arith.addi %mul3A_179, %add3A_180 : i32
      %mul3A_182 = arith.constant 16 : i32
      %mul3A_183 = arith.muli %add3A_181, %mul3A_182 : i32
      %get3A_184 = arith.index_cast %mul3A_183 : i32 to index
      %get3A_185 = tpu.vector_load %arg8[%get3A_184] {strides = array<i32>} : memref<16384xf32, #tpu.memory_space<vmem>>, vector<16xf32>,
      %get3A_186 = vector.shape_cast %get3A_185 : vector<16xf32> to vector<16xf32>
      %swap3A_187 = arith.index_cast %mul3A_183 : i32 to index
      %swap3A_188 = tpu.vector_load %arg5[%swap3A_187] {strides = array<i32>} : memref<16384xf32, #tpu.memory_space<vmem>>, vector<16xf32>,
      %swap3A_189 = vector.shape_cast %swap3A_188 : vector<16xf32> to vector<16xf32>
      %swap3A_190 = vector.shape_cast %get3A_186 : vector<16xf32> to vector<16xf32>
      tpu.vector_store %arg5[%swap3A_187], %swap3A_190 {add = true, strides = array<i32>} : memref<16384xf32, #tpu.memory_space<vmem>>, vector<16xf32>,
      %mul3A_191 = arith.constant 8 : i32
      %mul3A_192 = arith.muli %scan3A_100, %mul3A_191 : i32
      %add3A_193 = arith.constant 7 : i32
      %add3A_194 = arith.addi %mul3A_192, %add3A_193 : i32
      %mul3A_195 = arith.constant 16 : i32
      %mul3A_196 = arith.muli %add3A_194, %mul3A_195 : i32
      %get3A_197 = arith.index_cast %mul3A_196 : i32 to index
      %get3A_198 = tpu.vector_load %arg8[%get3A_197] {strides = array<i32>} : memref<16384xf32, #tpu.memory_space<vmem>>, vector<16xf32>,
      %get3A_199 = vector.shape_cast %get3A_198 : vector<16xf32> to vector<16xf32>
      %swap3A_200 = arith.index_cast %mul3A_196 : i32 to index
      %swap3A_201 = tpu.vector_load %arg5[%swap3A_200] {strides = array<i32>} : memref<16384xf32, #tpu.memory_space<vmem>>, vector<16xf32>,
      %swap3A_202 = vector.shape_cast %swap3A_201 : vector<16xf32> to vector<16xf32>
      %swap3A_203 = vector.shape_cast %get3A_199 : vector<16xf32> to vector<16xf32>
      tpu.vector_store %arg5[%swap3A_200], %swap3A_203 {add = true, strides = array<i32>} : memref<16384xf32, #tpu.memory_space<vmem>>, vector<16xf32>,
      %scan3A_204 = arith.constant 0 : i32
      scf.yield %scan3A_204 : i32
    }
    %scan3A_85 = arith.constant 128 : i32
    %mul3A_86 = arith.constant 16384 : i32
    %mul3A_87 = arith.muli %add3A, %mul3A_86 : i32
    %add3A_88 = arith.constant 1572864 : i32
    %add3A_89 = arith.addi %add3A_88, %mul3A_87 : i32
    %dma_start3A_90 = tpu.memref_slice %arg4[%add3A_89] : memref<2097152xf32, #tpu.memory_space<hbm>> -> memref<16384xf32, #tpu.memory_space<hbm>>
    %dma_start3A_91 = tpu.memref_slice %arg4[%add3A_89] : memref<2097152xf32, #tpu.memory_space<hbm>> -> memref<16384xf32, #tpu.memory_space<hbm>>
    tpu.enqueue_dma source(%arg5 : memref<16384xf32, #tpu.memory_space<vmem>>) target(%dma_start3A_91 : memref<16384xf32, #tpu.memory_space<hbm>>) target_semaphore(%arg12 : memref<!tpu.dma_semaphore, #tpu.memory_space<semaphore_mem>>)
    %dma_wait3A_92 = tpu.memref_slice %arg4[%add3A_53] : memref<2097152xf32, #tpu.memory_space<hbm>> -> memref<16384xf32, #tpu.memory_space<hbm>>
    %dma_wait3A_93 = tpu.memref_slice %arg4[%add3A_53] : memref<2097152xf32, #tpu.memory_space<hbm>> -> memref<16384xf32, #tpu.memory_space<hbm>>
    tpu.wait_dma2 semaphore(%arg13 : memref<!tpu.dma_semaphore, #tpu.memory_space<semaphore_mem>>) src(%arg6 : memref<16384xf32, #tpu.memory_space<vmem>>) dst(%dma_wait3A_93 : memref<16384xf32, #tpu.memory_space<hbm>>)
    %dma_wait3A_94 = tpu.memref_slice %arg4[%add3A_74] : memref<2097152xf32, #tpu.memory_space<hbm>> -> memref<16384xf32, #tpu.memory_space<hbm>>
    %dma_wait3A_95 = tpu.memref_slice %arg4[%add3A_74] : memref<2097152xf32, #tpu.memory_space<hbm>> -> memref<16384xf32, #tpu.memory_space<hbm>>
    tpu.wait_dma2 semaphore(%arg14 : memref<!tpu.dma_semaphore, #tpu.memory_space<semaphore_mem>>) src(%arg7 : memref<16384xf32, #tpu.memory_space<vmem>>) dst(%dma_wait3A_95 : memref<16384xf32, #tpu.memory_space<hbm>>)
    %dma_wait3A_96 = tpu.memref_slice %arg4[%add3A_89] : memref<2097152xf32, #tpu.memory_space<hbm>> -> memref<16384xf32, #tpu.memory_space<hbm>>
    %dma_wait3A_97 = tpu.memref_slice %arg4[%add3A_89] : memref<2097152xf32, #tpu.memory_space<hbm>> -> memref<16384xf32, #tpu.memory_space<hbm>>
    tpu.wait_dma2 semaphore(%arg12 : memref<!tpu.dma_semaphore, #tpu.memory_space<semaphore_mem>>) src(%arg5 : memref<16384xf32, #tpu.memory_space<vmem>>) dst(%dma_wait3A_97 : memref<16384xf32, #tpu.memory_space<hbm>>)
    %dma_wait3A_98 = tpu.memref_slice %arg4[%add3A_32] : memref<2097152xf32, #tpu.memory_space<hbm>> -> memref<16384xf32, #tpu.memory_space<hbm>>
    %dma_wait3A_99 = tpu.memref_slice %arg4[%add3A_32] : memref<2097152xf32, #tpu.memory_space<hbm>> -> memref<16384xf32, #tpu.memory_space<hbm>>
    tpu.wait_dma2 semaphore(%arg12 : memref<!tpu.dma_semaphore, #tpu.memory_space<semaphore_mem>>) src(%arg5 : memref<16384xf32, #tpu.memory_space<vmem>>) dst(%dma_wait3A_99 : memref<16384xf32, #tpu.memory_space<hbm>>)
    return
  }
}

module attributes {stable_mosaic.version = 14 : i64} {
  func.func @_add_kernel(%arg0: i32, %arg1: i32, %arg2: memref<1x896x2048xf32, #tpu.memory_space<vmem>>, %arg3: memref<896x2048xf32, #tpu.memory_space<vmem>>, %arg4: memref<1x896x2048xf32, #tpu.memory_space<vmem>>) attributes {dimension_semantics = [#tpu.dimension_semantics<parallel>, #tpu.dimension_semantics<parallel>], iteration_bounds = array<i64: 2, 4>, scalar_prefetch = 0 : i64, scratch_operands = 0 : i64, tpu.core_type = #tpu.core_type<tc>, window_params = [{transform_indices = @transform_0, window_bounds = array<i64: 1, 896, 2048>}, {transform_indices = @transform_1, window_bounds = array<i64: 896, 2048>}, {transform_indices = @transform_2, window_bounds = array<i64: 1, 896, 2048>}]} {
    %get3A = arith.constant 0 : index
    %get3A_0 = arith.constant 0 : index
    %get3A_1 = arith.constant 0 : index
    %get3A_2 = vector.load %arg2[%get3A, %get3A_0, %get3A_1] : memref<1x896x2048xf32, #tpu.memory_space<vmem>>, vector<1x896x2048xf32>
    %get3A_3 = arith.constant 0 : index
    %get3A_4 = arith.constant 0 : index
    %get3A_5 = vector.load %arg3[%get3A_3, %get3A_4] : memref<896x2048xf32, #tpu.memory_space<vmem>>, vector<896x2048xf32>
    %broadcast_in_dim3A = vector.shape_cast %get3A_5 : vector<896x2048xf32> to vector<1x896x2048xf32>
    %add3A = arith.addf %get3A_2, %broadcast_in_dim3A : vector<1x896x2048xf32>
    %swap3A = arith.constant 0 : index
    %swap3A_6 = arith.constant 0 : index
    %swap3A_7 = arith.constant 0 : index
    %swap3A_8 = vector.load %arg4[%swap3A, %swap3A_6, %swap3A_7] : memref<1x896x2048xf32, #tpu.memory_space<vmem>>, vector<1x896x2048xf32>
    tpu.vector_store %arg4[%swap3A, %swap3A_6, %swap3A_7], %add3A {strides = array<i32>} : memref<1x896x2048xf32, #tpu.memory_space<vmem>>, vector<1x896x2048xf32>,
    return
  }
  func.func @transform_0(%arg0: i32, %arg1: i32) -> (i32, i32, i32) {
    %c0_i32 = arith.constant 0 : i32
    %c0_i32_0 = arith.constant 0 : i32
    return %arg1, %arg0, %c0_i32 : i32, i32, i32
  }
  func.func @transform_1(%arg0: i32, %arg1: i32) -> (i32, i32) {
    %c0_i32 = arith.constant 0 : i32
    %c0_i32_0 = arith.constant 0 : i32
    return %arg0, %c0_i32 : i32, i32
  }
  func.func @transform_2(%arg0: i32, %arg1: i32) -> (i32, i32, i32) {
    %c0_i32 = arith.constant 0 : i32
    %c0_i32_0 = arith.constant 0 : i32
    return %arg1, %arg0, %c0_i32 : i32, i32, i32
  }
}

</mosaic_0001>

<sc_bundles>
// kernel: kernel.4.cloned.1.call-start
scs
__scs_entry_jumppad:
0x0: {  	(pc) =	sbr.rel $0x88, $3  }
0x1: {  	(tag) =	ssettag $0x0;
	lr =	simm.s32 $0x1  }
0x2: {  	[smem:$0x3F9F] =	sst lr;
	_ =	strace $0xD0000000  }
0x3: {  	_ = 	snop  }
0x4: {  	_ = 	snop  }
0x5: {  	_ = 	snop  }
0x6: {  	_ = 	snop  }
0x7: {  	_ = 	snop  }
__scs_overlays_trampoline_lowered:
0x8: {  	[smem:$0x3FAE] =	sst s0  }
0x9: {  	[smem:$0x3FAF] =	sst s1  }
0xa: {  	[smem:$0x3FB0] =	sst s2  }
0xb: {  	[smem:$0x3FB1] =	sst s3  }
0xc: {  	[smem:$0x3FB2] =	sst s4  }
0xd: {  	[smem:$0x3FB3] =	sst s5  }
0xe: {  	[smem:$0x3FB4] =	sst s6  }
0xf: {  	[smem:$0x3FB5] =	sst s7  }
0x10: {  	[smem:$0x3FB6] =	sst s8  }
0x11: {  	[smem:$0x3FB7] =	sst s9;
	s0 =	simm.s32 @!p0 $0x0  }
0x12: {  	s1 =	sld [smem:$0x3F9D];
	s0 =	simm.s32 @p0 $0x1  }
0x13: {  	[smem:$0x3FB8] =	sst s0;
	s0 =	simm.s32 @!p1 $0x0  }
0x14: {  	s2 =	sld [smem:$0x3F9C];
	s0 =	simm.s32 @p1 $0x1  }
0x15: {  	[smem:$0x3FB9] =	sst s0;
	s0 =	simm.s32 @!p2 $0x0  }
0x16: {  	s3 =	sld [smem:$0x3FDB];
	s0 =	simm.s32 @p2 $0x1  }
0x17: {  	s4 =	simm.s32 $0x1BF5;
	[smem:$0x3FBB] =	sst s0  }
0x18: {  	s0 =	sld [smem:$0x3F9E];
	_ =	swait.ge [sflag:s4], $0x0  }
0x19: {  	s7 =	sld [smem:$0x3F9F]  }
0x1a: {  	s8 =	sadd.s32 $0xFFFFE003, lr  }
0x1b: {  	s9 =	sadd.s32 $0xFFFFFEF7, lr;
	s5 =	simm.s32 $0xFFFFFFFF;
	p2 =	slt.u32 s8, $0xFFFFF086  }
0x1c: {  	p1 =	slt.u32 s9, $0xF7A;
	s5 =	simm.s32 @!p2 $0x0  }
0x1d: {  	s5 =	simm.s32 @p1 $0x1;
	p0 =	seq.s32 s7, s2  }
0x1e: {  	s7 =	smul.u32 @!p0 $0xF7A, s2;
	p2 =	seq.s32 @!p0 s5, $0x0  }
0x1f: {  	s9 =	smul.u32 $0xF7A, s1;
	s8 =	simm.s32 @!p0 $0x1BF5;
	p2 =	por !p2, p0  }
0x20: {  	[sflag:s8] =	ssyncset.s32 @!p0 $0xFFFFF086;
	s6 =	sadd.s32 @!p0 s3, s7;
	s7 =	simm.s32 @!p0 $0x108  }
0x21: {  	s3 =	sadd.s32 s3, s9;
	s6 =	sadd.s32 @!p0 $0x88, s6;
	s7 =	simm.s32 @p2 $0x1082  }
0x22: {  	[simem:s7], [sflag:s8] =	dma.local @!p0 [hbm:s6], $0xF7A  }
0x23: {  	s9 =	sor.u32 $0xD0000000, s2;
	s6 =	simm.s32 $0x108;
	_ =	swait.ge @!p0 [sflag:s8], $0x0  }
0x24: {  	s3 =	sadd.s32 $0x88, s3;
	s6 =	simm.s32 @!p1 $0x1082;
	[sflag:s4] =	ssyncset.s32 $0xFFFFF086  }
0x25: {  	[simem:s6], [sflag:s4] =	dma.local [hbm:s3], $0xF7A  }
0x26: {  	[smem:$0x3F9F] =	sst s1;
	(tag) =	ssettag s2;
	_ =	strace s9  }
0x27: {  	s1 =	sld [smem:$0x3FAF]  }
0x28: {  	s2 =	sld [smem:$0x3FB0]  }
0x29: {  	s4 =	sld [smem:$0x3FB2]  }
0x2a: {  	p0 =	seq.s32 s5, $0x0;
	s5 =	sld [smem:$0x3FB3]  }
0x2b: {  	s6 =	sld [smem:$0x3FB4]  }
0x2c: {  	s7 =	sld [smem:$0x3FB5]  }
0x2d: {  	s3 =	simm.s32 $0x108;
	s8 =	sld [smem:$0x3FB6]  }
0x2e: {  	s3 =	simm.s32 @!p0 $0x1082;
	s9 =	sld [smem:$0x3FB7]  }
0x2f: {  	lr =	sadd.s32 s0, s3;
	s0 =	sld [smem:$0x3FAE]  }
0x30: {  	s3 =	sld [smem:$0x3FB1]  }
0x31: {  	[smem:$0x3FBA] =	sst s10  }
0x32: {  	s10 =	sld [smem:$0x3FB8];
	_ =	sdelay $0x3  }
0x33: {  	p0 =	seq.s32 s10, $0x1;
	s10 =	sld [smem:$0x3FBA];
	_ =	sdelay $0x3  }
0x34: {  	[smem:$0x3FBA] =	sst s10  }
0x35: {  	s10 =	sld [smem:$0x3FB9];
	_ =	sdelay $0x3  }
0x36: {  	p1 =	seq.s32 s10, $0x1;
	s10 =	sld [smem:$0x3FBA];
	_ =	sdelay $0x3  }
0x37: {  	[smem:$0x3FBA] =	sst s10  }
0x38: {  	s10 =	sld [smem:$0x3FBB]  }
0x39: {  	_ = 	snop;
	(pc) =	sbr.ind lr, $3  }
0x3a: {  	_ = 	snop  }
0x3b: {  	_ = 	snop  }
0x3c: {  	p2 =	seq.s32 s10, $0x1;
	s10 =	sld [smem:$0x3FBA]  }
0x3d: {  	_ =	shalt  }
0x3e: {  	_ =	shalt  }
0x3f: {  	_ =	shalt  }
0x40: {  	_ =	shalt  }
0x41: {  	_ =	shalt  }
0x42: {  	_ =	shalt  }
0x43: {  	_ =	shalt  }
0x44: {  	_ =	shalt  }
0x45: {  	_ =	shalt  }
0x46: {  	_ =	shalt  }
0x47: {  	_ =	shalt  }
0x48: {  	_ =	shalt  }
0x49: {  	_ =	shalt  }
0x4a: {  	_ =	shalt  }
0x4b: {  	_ =	shalt  }
0x4c: {  	_ =	shalt  }
0x4d: {  	_ =	shalt  }
0x4e: {  	_ =	shalt  }
0x4f: {  	_ =	shalt  }
0x50: {  	_ =	shalt  }
0x51: {  	_ =	shalt  }
0x52: {  	_ =	shalt  }
0x53: {  	_ =	shalt  }
0x54: {  	_ =	shalt  }
0x55: {  	_ =	shalt  }
0x56: {  	_ =	shalt  }
0x57: {  	_ =	shalt  }
0x58: {  	_ =	shalt  }
0x59: {  	_ =	shalt  }
0x5a: {  	_ =	shalt  }
0x5b: {  	_ =	shalt  }
0x5c: {  	_ =	shalt  }
0x5d: {  	_ =	shalt  }
0x5e: {  	_ =	shalt  }
0x5f: {  	_ =	shalt  }
0x60: {  	_ =	shalt  }
0x61: {  	_ =	shalt  }
0x62: {  	_ =	shalt  }
0x63: {  	_ =	shalt  }
0x64: {  	_ =	shalt  }
0x65: {  	_ =	shalt  }
0x66: {  	_ =	shalt  }
0x67: {  	_ =	shalt  }
0x68: {  	_ =	shalt  }
0x69: {  	_ =	shalt  }
0x6a: {  	_ =	shalt  }
0x6b: {  	_ =	shalt  }
0x6c: {  	_ =	shalt  }
0x6d: {  	_ =	shalt  }
0x6e: {  	_ =	shalt  }
0x6f: {  	_ =	shalt  }
0x70: {  	_ =	shalt  }
0x71: {  	_ =	shalt  }
0x72: {  	_ =	shalt  }
0x73: {  	_ =	shalt  }
0x74: {  	_ =	shalt  }
0x75: {  	_ =	shalt  }
0x76: {  	_ =	shalt  }
0x77: {  	_ =	shalt  }
0x78: {  	_ =	shalt  }
0x79: {  	_ =	shalt  }
0x7a: {  	_ =	shalt  }
0x7b: {  	_ =	shalt  }
0x7c: {  	_ =	shalt  }
0x7d: {  	_ =	shalt  }
0x7e: {  	_ =	shalt  }
0x7f: {  	_ =	shalt  }
0x80: {  	_ =	shalt  }
0x81: {  	_ =	shalt  }
0x82: {  	_ =	shalt  }
0x83: {  	_ =	shalt  }
0x84: {  	_ =	shalt  }
0x85: {  	_ =	shalt  }
0x86: {  	_ =	shalt  }
0x87: {  	_ =	shalt  }
.Lfunc_end0:
.L_simem_size_0:
called_computation.1_lowered:
.L_overlay_start_0:
0x88: {  	s2 =	sld [smem:$0x3FD9]  }
0x89: {  	s3 =	sld [smem:$0x3FFE];
	_ =	sdelay $0x1  }
0x8a: {  	s1 =	srdreg.scid  }
0x8b: {  	s0 =	sand.u32 $0x1, s1  }
0x8c: {  	s17 =	sshll.u32 s0, $0xA;
	s2 =	sadd.s32 s3, s2  }
0x8d: {  	s2 =	sadd.s32 s2, s17  }
0x8e: {  	[smem:$0x3FC6] =	sst s2  }
0x8f: {  	_ = 	snop  }
0x90: {  	s2 =	sld [smem:$0x3FD0];
	(tm) =	ssettm $0x1  }
0x91: {  	s18 =	sld [smem:$0x3FFB];
	_ =	sdelay $0x3  }
0x92: {  	_ =	strace s18  }
0x93: {  	s3 =	sld [smem:$0x3FFC];
	_ =	sdelay $0x3  }
0x94: {  	_ =	strace s3  }
0x95: {  	s3 =	sld [smem:$0x3FFD];
	_ =	sdelay $0x3  }
0x96: {  	_ =	strace s3  }
0x97: {  	_ =	strace $0x8FFFFFFF  }
0x98: {  	s19 =	sld [smem:$0x3FDB];
	_ =	sdelay $0x1  }
0x99: {  	s4 =	simm.s32 $_scs_section_size  }
0x9a: {  	s5 =	simm.s32 $_size__tile_overlayer_lowered;
	s6 =	simm.s32 $_tile_overlayer_lowered  }
0x9b: {  	s22 =	simm.s32 $0x1BFF;
	s21 =	sshll.u32 s6, $0x1;
	s3 =	sadd.s32 s4, s19  }
0x9c: {  	s7 =	simm.s32 $0x0;
	s20 =	sshll.u32 s5, $0x1;
	s5 =	sadd.s32 s21, s3  }
0x9d: {  	[timem:s7], [sflag:s22] =	dma.local [hbm:s5], s20  }
0x9e: {  	_ =	swait.ge [sflag:s22], s20  }
0x9f: {  	s4 =	ssub.s32 $0x0, s20;
	[sflag:s22] =	ssyncset.done $0x0  }
0xa0: {  	[sflag:s22] =	ssyncadd.s32 s4;
	_ =	sdelay $0x1  }
0xa1: {  	s23 =	simm.s32 $0x1B8B  }
0xa2: {  	_ =	swait.ge [sflag:s23], $0x1  }
0xa3: {  	[sflag:s23] =	ssyncset.done $0x0  }
0xa4: {  	s25 =	simm.s32 $0x1B8E;
	s24 =	sld [smem:$0x3FFE];
	[sflag:s23] =	ssyncadd.s32 $0xFFFFFFFF  }
0xa5: {  	s26 =	simm.s32 $execute0_lowered;
	[smem:$0x3FD2] =	sst s25  }
0xa6: {  	s5 =	sshll.u32 s26, $0x1;
	_ =	strace $0x80000049;
	[dreg:$0x1] =	wrdreg $0xFFFFFFFF  }
0xa7: {  	s28 =	simm.s32 $_size_execute0_lowered;
	s3 =	sadd.s32 s3, s5;
	[dreg:$0x0] =	wrdreg $0x0  }
0xa8: {  	s5 =	sshll.u32 s28, $0x1;
	[dreg:$0x2] =	wrdreg s3  }
0xa9: {  	[dreg:$0x3] =	wrdreg s5  }
0xaa: {  	[dreg:$0x4] =	wrdreg $0xC0  }
0xab: {  	_ =	task [dreg:s7], $0x5FFFF  }
0xac: {  	[dreg:$0x1] =	wrdreg $0xFFFFFFFF  }
0xad: {  	[dreg:$0x0] =	wrdreg $0x60  }
0xae: {  	[dreg:$0x2] =	wrdreg s2  }
0xaf: {  	[dreg:$0x3] =	wrdreg s24  }
0xb0: {  	[dreg:$0x4] =	wrdreg $0x9  }
0xb1: {  	_ =	task.clear_ibuf [dreg:s7], $0x5FFFF;
	_ =	strace $0x90000049  }
0xb2: {  	s29 =	simm.s32 $0x9;
	_ =	strace $0x8000004B  }
0xb3: {  	_ =	swait.ge [sflag:s29], $0x1  }
0xb4: {  	[sflag:s29] =	ssyncadd.s32 $0xFFFFFFFF  }
0xb5: {  	_ =	strace $0x9000004B  }
0xb6: {  	_ =	sfence  }
0xb7: {  	s30 =	sld [smem:$0x0];
	_ =	sdelay $0x2  }
0xb8: {  	s31 =	sshll.u32 s1, $0xD;
	s1 =	sshrl.u32 s1, $0x2  }
0xb9: {  	s3 =	sand.u32 $0x4000, s31;
	s1 =	sadd.s32 s1, s30  }
0xba: {  	s0 =	sor.u32 s3, s0;
	s1 =	sshll.u32 s1, $0x11  }
0xbb: {  	s0 =	sor.u32 s1, s0  }
0xbc: {  	s0 =	sadd.s32 $0x8F2B, s0  }
0xbd: {  	[sflag:s0] =	ssyncadd.remote.s32 $0x1  }
0xbe: {  	_ =	sfence.sel $0xFFFF  }
0xbf: {  	[dreg:$0x0] =	wrdreg $0xFFFFFFFF;
	(pc) =	sbr.abs _section_cstart, $3  }
0xc0: {  	[dreg:$0x1] =	wrdreg $0xFFFFFFFF  }
0xc1: {  	_ =	task.clear_ibuf [dreg:s7], $0x2FFFF;
	_ =	strace $0x9FFFFFFF  }
0xc2: {  	(tm) =	ssettm $0x7FFFFFFF  }
0xc3: {  	_ =	shalt  }
tec
execute0_lowered:
.L_overlay_start_1:
0x0: {  	(tag) =	ssettag $0x1  }
0x1: {  	s1 =	srdreg.scid;
	s4 =	rddreg [dreg:$0x0]  }
0x2: {  	s0 =	stileid.u32;
	s5 =	rddreg [dreg:$0x1]  }
0x3: {  	s2 =	simm.s32 $0x0;
	s13 =	simm.s32 $0xC000;
	s14 =	simm.s32 $0x7  }
0x4: {  	s15 =	simm.s32 $0x4000;
	s16 =	simm.s32 $0x1;
	s17 =	simm.s32 $0x8000  }
0x5: {  	s18 =	simm.s32 $0x2;
	s19 =	simm.s32 $0x3;
	s20 =	simm.s32 $0x5  }
0x6: {  	s21 =	simm.s32 $0x6;
	s22 =	simm.s32 $0x4;
	s23 =	simm.s32 $0x0  }
0x7: {  	s3 =	sand.u32 $0x1, s1;
	s6 =	sshll.u32 s0, $0xC;
	s1 =	rddreg [dreg:$0x2]  }
0x8: {  	[smem:$0x7FF] =	sst s2;
	s7 =	sshll.u32 s3, $0xB;
	s3 =	ssub.s32 $0x2, s3  }
0x9: {  	_ =	strace $0x8000004A;
	s6 =	sor.u32 s7, s6;
	s9 =	sshrl.u32 s3, $0x1  }
0xa: {  	s7 =	sor.u32 $0x70000, s6;
	s11 =	sadd.s32 s6, s5;
	s12 =	ssub.s32 s3, s9  }
0xb: {  	s31 =	sadd.s32 s6, s4;
	s8 =	sadd.s32 s7, s5;
	s4 =	sadd.s32 s4, s7  }
0xc: {  	s5 =	sadd.s32 $0xF0000, s31;
	s6 =	sadd.s32 $0x80A00, s11;
	s7 =	sadd.s32 $0x170000, s31  }
0xd: {  	s9 =	sadd.s32 $0x1F0000, s31;
	s10 =	sadd.s32 $0xA0A00, s11;
	s12 =	smax.u32 s12, $0x1  }
0xe: {  	s3 =	sadd.s32 $0xA00, s8;
	s8 =	sadd.s32 $0x90A00, s11;
	s11 =	sadd.s32 $0xB0A00, s11  }
.LBB2_1:
0xf: {  	[tilespmem:s13], [sflag:$0x7] =	stream.linear.gather [hbm4b:s3+s2], $0x4000, $0x38;
	[tilespmem:$0x10000] =	vst v63  }
0x10: {  	_ = 	snop  }
0x11: {  	[tilespmem:s2], [sflag:$0x1] =	stream.linear.gather [hbm4b:s4+s2], $0x4000, $0x38;
	[tilespmem:$0x10000] =	vst v63  }
0x12: {  	_ =	swait.ge [sflag:s14], $0x4000  }
0x13: {  	[sflag:s14] =	ssyncset.done $0x0  }
0x14: {  	[sflag:s14] =	ssyncadd.s32 $0xFFFFC000  }
0x15: {  	[tilespmem:s15], [sflag:$0x2] =	stream.linear.gather [hbm4b:s5+s2], $0x4000, $0x38;
	[tilespmem:$0x10000] =	vst v63  }
0x16: {  	_ =	swait.ge [sflag:s16], $0x4000  }
0x17: {  	[sflag:s16] =	ssyncset.done $0x0  }
0x18: {  	s24 =	simm.s32 $0x0;
	s25 =	simm.s32 $0x200;
	[sflag:s16] =	ssyncadd.s32 $0xFFFFC000  }
.LBB2_2:
0x19: {  	p0 =	sne.s32 s25, $0xFE00;
	v0 =	vld [tilespmem:s24+$0xC070]  }
0x1a: {  	v1 =	vld [tilespmem:s24+$0xC000]  }
0x1b: {  	v2 =	vld [tilespmem:s24+$0xC010]  }
0x1c: {  	v3 =	vld [tilespmem:s24+$0xC020]  }
0x1d: {  	v4 =	vld [tilespmem:s24+$0xC030]  }
0x1e: {  	[tilespmem:s24+$0x70] =	vst.add.f32.msk $0xffff, v0  }
0x1f: {  	v0 =	vld [tilespmem:s24+$0xC040]  }
0x20: {  	v5 =	vld [tilespmem:s24+$0xC050]  }
0x21: {  	v6 =	vld [tilespmem:s24+$0xC060]  }
0x22: {  	[tilespmem:s24+$0x0] =	vst.add.f32.msk $0xffff, v1  }
0x23: {  	[tilespmem:s24+$0x10] =	vst.add.f32.msk $0xffff, v2  }
.Ltmp0:
0x24: {  	[tilespmem:s24+$0x20] =	vst.add.f32.msk $0xffff, v3;
	(pc) =	sbr.rel @p0 .LBB2_2-.Ltmp0, $4  }
0x25: {  	[tilespmem:s24+$0x30] =	vst.add.f32.msk $0xffff, v4  }
0x26: {  	[tilespmem:s24+$0x40] =	vst.add.f32.msk $0xffff, v0  }
0x27: {  	[tilespmem:s24+$0x50] =	vst.add.f32.msk $0xffff, v5  }
0x28: {  	[tilespmem:s24+$0x60] =	vst.add.f32.msk $0xffff, v6;
	s24 =	sshra.s32 s25, $0x2;
	s25 =	sadd.s32 $0x200, s25  }
0x29: {  	v0 =	vld [tilespmem:s24+$0xC070]  }
0x2a: {  	v1 =	vld [tilespmem:s24+$0xC000]  }
0x2b: {  	v2 =	vld [tilespmem:s24+$0xC010]  }
0x2c: {  	v3 =	vld [tilespmem:s24+$0xC020]  }
0x2d: {  	v4 =	vld [tilespmem:s24+$0xC030]  }
0x2e: {  	v63 =	vld [tilespmem:s24+$0xC040]  }
0x2f: {  	v5 =	vld [tilespmem:s24+$0xC050]  }
0x30: {  	v6 =	vld [tilespmem:s24+$0xC060]  }
0x31: {  	[tilespmem:s24+$0x70] =	vst.add.f32.msk $0xffff, v0  }
0x32: {  	[tilespmem:s24+$0x0] =	vst.add.f32.msk $0xffff, v1  }
0x33: {  	[tilespmem:s24+$0x10] =	vst.add.f32.msk $0xffff, v2  }
0x34: {  	[tilespmem:s24+$0x20] =	vst.add.f32.msk $0xffff, v3  }
0x35: {  	[tilespmem:s24+$0x30] =	vst.add.f32.msk $0xffff, v4  }
0x36: {  	[tilespmem:s24+$0x40] =	vst.add.f32.msk $0xffff, v63  }
0x37: {  	[tilespmem:s24+$0x50] =	vst.add.f32.msk $0xffff, v5  }
0x38: {  	s31 =	simm.s32 $0x0;
	[tilespmem:s24+$0x60] =	vst.add.f32.msk $0xffff, v6  }
0x39: {  	[hbm4b:s6+s31] =	stream.linear.scatter [tilespmem:s31], [sflag:$0x4], $0x4000, $0x38;
	[tilespmem:$0x10000] =	vst v63  }
0x3a: {  	_ = 	snop  }
0x3b: {  	[tilespmem:s17], [sflag:$0x3] =	stream.linear.gather [hbm4b:s7+s31], $0x4000, $0x38;
	[tilespmem:$0x10000] =	vst v63  }
0x3c: {  	_ =	swait.ge [sflag:s18], $0x4000  }
0x3d: {  	[sflag:s18] =	ssyncset.done $0x0  }
0x3e: {  	s25 =	simm.s32 $0x200;
	s24 =	simm.s32 $0x0;
	[sflag:s18] =	ssyncadd.s32 $0xFFFFC000  }
.LBB2_4:
0x3f: {  	p0 =	sne.s32 s25, $0xFE00;
	v0 =	vld [tilespmem:s24+$0xC070]  }
0x40: {  	v1 =	vld [tilespmem:s24+$0xC000]  }
0x41: {  	v2 =	vld [tilespmem:s24+$0xC010]  }
0x42: {  	v3 =	vld [tilespmem:s24+$0xC020]  }
0x43: {  	v4 =	vld [tilespmem:s24+$0xC030]  }
0x44: {  	[tilespmem:s24+$0x4070] =	vst.add.f32.msk $0xffff, v0  }
0x45: {  	v0 =	vld [tilespmem:s24+$0xC040]  }
0x46: {  	v5 =	vld [tilespmem:s24+$0xC050]  }
0x47: {  	v6 =	vld [tilespmem:s24+$0xC060]  }
0x48: {  	[tilespmem:s24+$0x4000] =	vst.add.f32.msk $0xffff, v1  }
0x49: {  	[tilespmem:s24+$0x4010] =	vst.add.f32.msk $0xffff, v2  }
.Ltmp1:
0x4a: {  	[tilespmem:s24+$0x4020] =	vst.add.f32.msk $0xffff, v3;
	(pc) =	sbr.rel @p0 .LBB2_4-.Ltmp1, $4  }
0x4b: {  	[tilespmem:s24+$0x4030] =	vst.add.f32.msk $0xffff, v4  }
0x4c: {  	[tilespmem:s24+$0x4040] =	vst.add.f32.msk $0xffff, v0  }
0x4d: {  	[tilespmem:s24+$0x4050] =	vst.add.f32.msk $0xffff, v5  }
0x4e: {  	[tilespmem:s24+$0x4060] =	vst.add.f32.msk $0xffff, v6;
	s24 =	sshra.s32 s25, $0x2;
	s25 =	sadd.s32 $0x200, s25  }
0x4f: {  	v0 =	vld [tilespmem:s24+$0xC070]  }
0x50: {  	v1 =	vld [tilespmem:s24+$0xC000]  }
0x51: {  	v2 =	vld [tilespmem:s24+$0xC010]  }
0x52: {  	v3 =	vld [tilespmem:s24+$0xC020]  }
0x53: {  	v4 =	vld [tilespmem:s24+$0xC030]  }
0x54: {  	v63 =	vld [tilespmem:s24+$0xC040]  }
0x55: {  	v5 =	vld [tilespmem:s24+$0xC050]  }
0x56: {  	v6 =	vld [tilespmem:s24+$0xC060]  }
0x57: {  	[tilespmem:s24+$0x4070] =	vst.add.f32.msk $0xffff, v0  }
0x58: {  	[tilespmem:s24+$0x4000] =	vst.add.f32.msk $0xffff, v1  }
0x59: {  	[tilespmem:s24+$0x4010] =	vst.add.f32.msk $0xffff, v2  }
0x5a: {  	[tilespmem:s24+$0x4020] =	vst.add.f32.msk $0xffff, v3  }
0x5b: {  	[tilespmem:s24+$0x4030] =	vst.add.f32.msk $0xffff, v4  }
0x5c: {  	[tilespmem:s24+$0x4040] =	vst.add.f32.msk $0xffff, v63  }
0x5d: {  	[tilespmem:s24+$0x4050] =	vst.add.f32.msk $0xffff, v5  }
0x5e: {  	s31 =	simm.s32 $0x0;
	[tilespmem:s24+$0x4060] =	vst.add.f32.msk $0xffff, v6  }
0x5f: {  	[hbm4b:s8+s31] =	stream.linear.scatter [tilespmem:s15], [sflag:$0x5], $0x4000, $0x38;
	[tilespmem:$0x10000] =	vst v63  }
0x60: {  	_ = 	snop  }
0x61: {  	[tilespmem:s31], [sflag:$0x1] =	stream.linear.gather [hbm4b:s9+s31], $0x4000, $0x38;
	[tilespmem:$0x10000] =	vst v63  }
0x62: {  	_ =	swait.ge [sflag:s19], $0x4000  }
0x63: {  	[sflag:s19] =	ssyncset.done $0x0  }
0x64: {  	s25 =	simm.s32 $0x200;
	s24 =	simm.s32 $0x0;
	[sflag:s19] =	ssyncadd.s32 $0xFFFFC000  }
.LBB2_6:
0x65: {  	p0 =	sne.s32 s25, $0xFE00;
	v0 =	vld [tilespmem:s24+$0xC070]  }
0x66: {  	v1 =	vld [tilespmem:s24+$0xC000]  }
0x67: {  	v2 =	vld [tilespmem:s24+$0xC010]  }
0x68: {  	v3 =	vld [tilespmem:s24+$0xC020]  }
0x69: {  	v4 =	vld [tilespmem:s24+$0xC030]  }
0x6a: {  	[tilespmem:s24+$0x8070] =	vst.add.f32.msk $0xffff, v0  }
0x6b: {  	v0 =	vld [tilespmem:s24+$0xC040]  }
0x6c: {  	v5 =	vld [tilespmem:s24+$0xC050]  }
0x6d: {  	v6 =	vld [tilespmem:s24+$0xC060]  }
0x6e: {  	[tilespmem:s24+$0x8000] =	vst.add.f32.msk $0xffff, v1  }
0x6f: {  	[tilespmem:s24+$0x8010] =	vst.add.f32.msk $0xffff, v2  }
.Ltmp2:
0x70: {  	[tilespmem:s24+$0x8020] =	vst.add.f32.msk $0xffff, v3;
	(pc) =	sbr.rel @p0 .LBB2_6-.Ltmp2, $4  }
0x71: {  	[tilespmem:s24+$0x8030] =	vst.add.f32.msk $0xffff, v4  }
0x72: {  	[tilespmem:s24+$0x8040] =	vst.add.f32.msk $0xffff, v0  }
0x73: {  	[tilespmem:s24+$0x8050] =	vst.add.f32.msk $0xffff, v5  }
0x74: {  	[tilespmem:s24+$0x8060] =	vst.add.f32.msk $0xffff, v6;
	s24 =	sshra.s32 s25, $0x2;
	s25 =	sadd.s32 $0x200, s25  }
0x75: {  	v0 =	vld [tilespmem:s24+$0xC070]  }
0x76: {  	v1 =	vld [tilespmem:s24+$0xC000]  }
0x77: {  	v2 =	vld [tilespmem:s24+$0xC010]  }
0x78: {  	v3 =	vld [tilespmem:s24+$0xC020]  }
0x79: {  	v4 =	vld [tilespmem:s24+$0xC030]  }
0x7a: {  	v63 =	vld [tilespmem:s24+$0xC040]  }
0x7b: {  	v5 =	vld [tilespmem:s24+$0xC050]  }
0x7c: {  	v6 =	vld [tilespmem:s24+$0xC060]  }
0x7d: {  	[tilespmem:s24+$0x8070] =	vst.add.f32.msk $0xffff, v0  }
0x7e: {  	[tilespmem:s24+$0x8000] =	vst.add.f32.msk $0xffff, v1  }
0x7f: {  	[tilespmem:s24+$0x8010] =	vst.add.f32.msk $0xffff, v2  }
0x80: {  	[tilespmem:s24+$0x8020] =	vst.add.f32.msk $0xffff, v3  }
0x81: {  	[tilespmem:s24+$0x8030] =	vst.add.f32.msk $0xffff, v4  }
0x82: {  	[tilespmem:s24+$0x8040] =	vst.add.f32.msk $0xffff, v63  }
0x83: {  	[tilespmem:s24+$0x8050] =	vst.add.f32.msk $0xffff, v5  }
0x84: {  	s31 =	simm.s32 $0x0;
	[tilespmem:s24+$0x8060] =	vst.add.f32.msk $0xffff, v6  }
0x85: {  	[hbm4b:s10+s31] =	stream.linear.scatter [tilespmem:s17], [sflag:$0x6], $0x4000, $0x38;
	[tilespmem:$0x10000] =	vst v63  }
0x86: {  	_ =	swait.ge [sflag:s16], $0x4000  }
0x87: {  	[sflag:s16] =	ssyncset.done $0x0  }
0x88: {  	s25 =	simm.s32 $0x200;
	s24 =	simm.s32 $0x0;
	[sflag:s16] =	ssyncadd.s32 $0xFFFFC000  }
.LBB2_8:
0x89: {  	p0 =	sne.s32 s25, $0xFE00;
	v0 =	vld [tilespmem:s24+$0xC070]  }
0x8a: {  	v1 =	vld [tilespmem:s24+$0xC000]  }
0x8b: {  	v2 =	vld [tilespmem:s24+$0xC010]  }
0x8c: {  	v3 =	vld [tilespmem:s24+$0xC020]  }
0x8d: {  	v4 =	vld [tilespmem:s24+$0xC030]  }
0x8e: {  	[tilespmem:s24+$0x70] =	vst.add.f32.msk $0xffff, v0  }
0x8f: {  	v0 =	vld [tilespmem:s24+$0xC040]  }
0x90: {  	v5 =	vld [tilespmem:s24+$0xC050]  }
0x91: {  	v6 =	vld [tilespmem:s24+$0xC060]  }
0x92: {  	[tilespmem:s24+$0x0] =	vst.add.f32.msk $0xffff, v1  }
0x93: {  	[tilespmem:s24+$0x10] =	vst.add.f32.msk $0xffff, v2  }
.Ltmp3:
0x94: {  	[tilespmem:s24+$0x20] =	vst.add.f32.msk $0xffff, v3;
	(pc) =	sbr.rel @p0 .LBB2_8-.Ltmp3, $4  }
0x95: {  	[tilespmem:s24+$0x30] =	vst.add.f32.msk $0xffff, v4  }
0x96: {  	[tilespmem:s24+$0x40] =	vst.add.f32.msk $0xffff, v0  }
0x97: {  	[tilespmem:s24+$0x50] =	vst.add.f32.msk $0xffff, v5  }
0x98: {  	[tilespmem:s24+$0x60] =	vst.add.f32.msk $0xffff, v6;
	s24 =	sshra.s32 s25, $0x2;
	s25 =	sadd.s32 $0x200, s25  }
0x99: {  	v0 =	vld [tilespmem:s24+$0xC070]  }
0x9a: {  	v1 =	vld [tilespmem:s24+$0xC000]  }
0x9b: {  	v2 =	vld [tilespmem:s24+$0xC010]  }
0x9c: {  	v3 =	vld [tilespmem:s24+$0xC020]  }
0x9d: {  	v4 =	vld [tilespmem:s24+$0xC030]  }
0x9e: {  	v63 =	vld [tilespmem:s24+$0xC040]  }
0x9f: {  	v5 =	vld [tilespmem:s24+$0xC050]  }
0xa0: {  	v6 =	vld [tilespmem:s24+$0xC060]  }
0xa1: {  	[tilespmem:s24+$0x70] =	vst.add.f32.msk $0xffff, v0  }
0xa2: {  	[tilespmem:s24+$0x0] =	vst.add.f32.msk $0xffff, v1  }
0xa3: {  	[tilespmem:s24+$0x10] =	vst.add.f32.msk $0xffff, v2  }
0xa4: {  	[tilespmem:s24+$0x20] =	vst.add.f32.msk $0xffff, v3  }
0xa5: {  	[tilespmem:s24+$0x30] =	vst.add.f32.msk $0xffff, v4  }
0xa6: {  	[tilespmem:s24+$0x40] =	vst.add.f32.msk $0xffff, v63  }
0xa7: {  	[tilespmem:s24+$0x50] =	vst.add.f32.msk $0xffff, v5  }
0xa8: {  	[tilespmem:s24+$0x60] =	vst.add.f32.msk $0xffff, v6  }
0xa9: {  	[hbm4b:s11+s2] =	stream.linear.scatter [tilespmem:s2], [sflag:$0x4], $0x4000, $0x38;
	[tilespmem:$0x10000] =	vst v63  }
0xaa: {  	_ =	swait.ge [sflag:s20], $0x4000  }
0xab: {  	[sflag:s20] =	ssyncset.done $0x0  }
0xac: {  	[sflag:s20] =	ssyncadd.s32 $0xFFFFC000  }
0xad: {  	_ =	swait.ge [sflag:s21], $0x4000  }
0xae: {  	[sflag:s21] =	ssyncset.done $0x0  }
0xaf: {  	s23 =	sadd.s32 $0x1, s23;
	[sflag:s21] =	ssyncadd.s32 $0xFFFFC000  }
0xb0: {  	p0 =	sne.s32 s23, s12;
	_ =	swait.ge [sflag:s22], $0x4000  }
.Ltmp4:
0xb1: {  	[sflag:s22] =	ssyncset.done $0x0;
	(pc) =	sbr.rel @p0 .LBB2_1-.Ltmp4, $4  }
0xb2: {  	[sflag:s22] =	ssyncadd.s32 $0xFFFFC000  }
0xb3: {  	_ =	swait.ge [sflag:s22], $0x4000  }
0xb4: {  	[sflag:s22] =	ssyncset.done $0x0  }
0xb5: {  	[sflag:s22] =	ssyncadd.s32 $0xFFFFC000  }
0xb6: {  	_ =	sfence.sel $0x180000  }
0xb7: {  	[bflag:$0x0] =	sbarrier.arrive $0xFFFF  }
0xb8: {  	p0 =	sne.s32 s0, $0x0;
	_ =	strace $0x9000004A  }
0xb9: {  	s0 =	sadd.s32 @!p0 $0x100000, s1;
	[bflag:$0x2] =	sbarrier.arrive $0xFFFF  }
0xba: {  	[sflag:s0] =	ssyncadd.tile.s32 @!p0 $0x1;
	_ =	shalt  }
.Lfunc_end2:
_tile_overlayer_lowered:
.L_overlay_start_2:
0xbb: {  	(tag) =	ssettag $0x2  }
0xbc: {  	s0 =	rddreg [dreg:$0x0];
	s2 =	stileid.u32  }
0xbd: {  	s1 =	rddreg [dreg:$0x1];
	p0 =	sne.s32 s2, $0x0  }
0xbe: {  	s3 =	rddreg [dreg:$0x2];
	[bflag:$0x3] =	sbarrier.arrive $0xFFFF;
	s2 =	simm.s32 @!p0 $0x1C08  }
0xbf: {  	[timem:s3], [sflag:s2] =	dma.local @!p0 [hbm:s0], s1  }
0xc0: {  	s0 =	simm.s32 @!p0 $0x8  }
0xc1: {  	_ =	swait.ge @!p0 [sflag:s0], s1  }
0xc2: {  	s1 =	ssub.s32 @!p0 $0x0, s1;
	[sflag:s0] =	ssyncset.done @!p0 $0x0  }
0xc3: {  	[sflag:s0] =	ssyncadd.s32 @!p0 s1  }
0xc4: {  	[bflag:$0x3] =	sbarrier.arrive $0xFFFF  }
0xc5: {  	_ =	shalt  }

// kernel: sparse-core-data-format-call.cloned.1.call-start
scs
called_computation_lowered:
.L_overlay_start_0:
0x0: {  	s2 =	sld [smem:$0x3FD9]  }
0x1: {  	s3 =	sld [smem:$0x3FFE];
	_ =	sdelay $0x1  }
0x2: {  	s1 =	srdreg.scid  }
0x3: {  	s0 =	sand.u32 $0x1, s1  }
0x4: {  	s19 =	sshll.u32 s0, $0xA;
	s2 =	sadd.s32 s3, s2  }
0x5: {  	s2 =	sadd.s32 s2, s19  }
0x6: {  	[smem:$0x3FC6] =	sst s2  }
0x7: {  	_ = 	snop  }
0x8: {  	s2 =	sld [smem:$0x3FC9]  }
0x9: {  	s20 =	sld [smem:$0x3FD0];
	(tm) =	ssettm $0x1  }
0xa: {  	s4 =	sld [smem:$0x3FFB];
	_ =	sdelay $0x3  }
0xb: {  	_ =	strace s4  }
0xc: {  	s4 =	sld [smem:$0x3FFC];
	_ =	sdelay $0x3  }
0xd: {  	_ =	strace s4  }
0xe: {  	s4 =	sld [smem:$0x3FFD];
	_ =	sdelay $0x3  }
0xf: {  	_ =	strace s4  }
0x10: {  	_ =	strace $0x8FFFFFFF  }
0x11: {  	s21 =	sld [smem:$0x3FDB];
	_ =	sdelay $0x1  }
0x12: {  	s5 =	simm.s32 $_scs_section_size  }
0x13: {  	s6 =	simm.s32 $_size__tile_overlayer_lowered;
	s7 =	simm.s32 $_tile_overlayer_lowered  }
0x14: {  	s24 =	simm.s32 $0x1BFF;
	s23 =	sshll.u32 s7, $0x1;
	s4 =	sadd.s32 s5, s21  }
0x15: {  	s8 =	simm.s32 $0x0;
	s22 =	sshll.u32 s6, $0x1;
	s6 =	sadd.s32 s23, s4  }
0x16: {  	[timem:s8], [sflag:s24] =	dma.local [hbm:s6], s22  }
0x17: {  	_ =	swait.ge [sflag:s24], s22  }
0x18: {  	s5 =	ssub.s32 $0x0, s22;
	[sflag:s24] =	ssyncset.done $0x0  }
0x19: {  	[sflag:s24] =	ssyncadd.s32 s5;
	_ =	sdelay $0x1  }
0x1a: {  	s25 =	simm.s32 $0x1B8B  }
0x1b: {  	_ =	swait.ge [sflag:s25], $0x1  }
0x1c: {  	[sflag:s25] =	ssyncset.done $0x0  }
0x1d: {  	s26 =	simm.s32 $0x1B8E;
	[sflag:s25] =	ssyncadd.s32 $0xFFFFFFFF  }
0x1e: {  	s27 =	simm.s32 $execute0_lowered;
	[smem:$0x3FD2] =	sst s26  }
0x1f: {  	s5 =	sshll.u32 s27, $0x1;
	_ =	strace $0x80000046;
	[dreg:$0x1] =	wrdreg $0xFFFFFFFF  }
0x20: {  	s28 =	simm.s32 $_size_execute0_lowered;
	s4 =	sadd.s32 s4, s5;
	[dreg:$0x0] =	wrdreg $0x0  }
0x21: {  	s5 =	sshll.u32 s28, $0x1;
	[dreg:$0x2] =	wrdreg s4  }
0x22: {  	[dreg:$0x3] =	wrdreg s5  }
0x23: {  	[dreg:$0x4] =	wrdreg $0xC0  }
0x24: {  	_ =	task [dreg:s8], $0x5FFFF  }
0x25: {  	[dreg:$0x1] =	wrdreg $0xFFFFFFFF  }
0x26: {  	[dreg:$0x0] =	wrdreg $0x60  }
0x27: {  	[dreg:$0x2] =	wrdreg s2  }
0x28: {  	[dreg:$0x3] =	wrdreg s20  }
0x29: {  	[dreg:$0x4] =	wrdreg $0x9  }
0x2a: {  	_ =	task.clear_ibuf [dreg:s8], $0x5FFFF;
	_ =	strace $0x90000046  }
0x2b: {  	s29 =	simm.s32 $0x9;
	_ =	strace $0x80000048  }
0x2c: {  	_ =	swait.ge [sflag:s29], $0x1  }
0x2d: {  	[sflag:s29] =	ssyncadd.s32 $0xFFFFFFFF  }
0x2e: {  	_ =	strace $0x90000048  }
0x2f: {  	_ =	sfence  }
0x30: {  	s30 =	sld [smem:$0x0];
	_ =	sdelay $0x2  }
0x31: {  	s31 =	sshll.u32 s1, $0xD;
	s1 =	sshrl.u32 s1, $0x2  }
0x32: {  	s3 =	sand.u32 $0x4000, s31;
	s1 =	sadd.s32 s1, s30  }
0x33: {  	s0 =	sor.u32 s3, s0;
	s1 =	sshll.u32 s1, $0x11  }
0x34: {  	s0 =	sor.u32 s1, s0  }
0x35: {  	s0 =	sadd.s32 $0x8F2B, s0  }
0x36: {  	[sflag:s0] =	ssyncadd.remote.s32 $0x1  }
0x37: {  	_ =	sfence.sel $0xFFFF  }
0x38: {  	[dreg:$0x0] =	wrdreg $0xFFFFFFFF;
	(pc) =	sbr.abs _section_cstart, $3  }
0x39: {  	[dreg:$0x1] =	wrdreg $0xFFFFFFFF  }
0x3a: {  	_ =	task.clear_ibuf [dreg:s8], $0x2FFFF;
	_ =	strace $0x9FFFFFFF  }
0x3b: {  	(tm) =	ssettm $0x7FFFFFFF  }
tec
execute0_lowered:
.L_overlay_start_1:
0x0: {  	(tag) =	ssettag $0x1  }
0x1: {  	s2 =	rddreg [dreg:$0x0]  }
0x2: {  	s3 =	rddreg [dreg:$0x1]  }
0x3: {  	s0 =	rddreg [dreg:$0x2];
	s4 =	srdreg.scid  }
.Ltmp0:
0x4: {  	_ =	strace $0x80000047;
	s1 =	stileid.u32;
	(pc) =	sbr.rel .LBB1_1-.Ltmp0, $4  }
0x5: {  	s6 =	simm.s32 $0x2;
	p0 =	por $0x0, $0x0;
	s5 =	sshll.u32 s4, $0x4  }
0x6: {  	s9 =	simm.s32 $0x0;
	s4 =	simm.s32 $0x1;
	s5 =	sand.u32 $0x10, s5  }
0x7: {  	s7 =	simm.s32 $0x0;
	[sflag:s4] =	ssyncpa.u1 $0x0;
	s5 =	sor.u32 s1, s5  }
0x8: {  	[sflag:s6] =	ssyncpa.u1 $0x0;
	s6 =	simm.s32 $0x0;
	s8 =	smov.u32 s5  }
.LBB1_7:
0x9: {  	s11 =	sadd.s32 $0x20, s8  }
0xa: {  	p1 =	slt.u32 s7, $0x2;
	s7 =	sadd.s32 $0x1, s7;
	p2 =	sgt.s32 s11, $0x3FF  }
0xb: {  	s11 =	smov.u32 @p2 s5;
	p2 =	sne.s32 s7, $0x22  }
.Ltmp1:
0xc: {  	_ = 	snop;
	(pc) =	sbr.rel @!p2 .LBB1_8-.Ltmp1, $4  }
0xd: {  	s10 =	simm.s32 @!p1 $0x2  }
0xe: {  	_ =	swait.ge @!p1 [sflag:s10], $0x4000  }
0xf: {  	s9 =	smov.u32 s8;
	[sflag:s10] =	ssyncset.done @!p1 $0x0  }
0x10: {  	p0 =	por !p0, !p0;
	s8 =	smov.u32 s11;
	[sflag:s10] =	ssyncadd.s32 @!p1 $0xFFFFC000  }
.LBB1_1:
0x11: {  	p1 =	sgt.u32 s7, $0x1F  }
0x12: {  	s10 =	sxor.u32 @!p1 $0xFFFFFFFF, s7  }
0x13: {  	s11 =	sshll.u32 @!p1 s8, $0xB;
	s10 =	sshll.u32 @!p1 s10, $0xE  }
0x14: {  	s12 =	simm.s32 @!p1 $0x0;
	s11 =	sadd.s32 @!p1 s2, s11;
	s10 =	sand.u32 @!p1 $0x4000, s10  }
0x15: {  	[tilespmem:s10], [sflag:$0x1] =	stream.linear.gather @!p1 [hbm4b:s11+s12], $0x4000, $0x38;
	[tilespmem:$0x10000] =	vst v63  }
0x16: {  	p1 =	seq.s32 s7, $0x0  }
0x17: {  	p2 =	seq.s32 @!p1 s7, $0x21  }
0x18: {  	p1 =	por p1, p2  }
.Ltmp2:
0x19: {  	_ = 	snop;
	(pc) =	sbr.rel @p1 .LBB1_7-.Ltmp2, $1  }
0x1a: {  	_ =	sdelay $0x3  }
0x1b: {  	s10 =	simm.s32 $0x1;
	_ =	swait.ge [sflag:s4], $0x4000;
	s12 =	sshll.u32 s7, $0xE  }
0x1c: {  	s13 =	simm.s32 $0x0;
	s10 =	simm.s32 @!p0 $0x0;
	[sflag:s4] =	ssyncset.done $0x0  }
0x1d: {  	s12 =	sand.u32 $0x4000, s12;
	s11 =	sshll.u32 s10, $0xE;
	[sflag:s4] =	ssyncadd.s32 $0xFFFFC000  }
0x1e: {  	s12 =	sor.u32 $0x8000, s12;
	s10 =	sor.u32 $0x8040, s11;
	s11 =	sor.u32 $0x40, s11  }
.LBB1_3:
0x1f: {  	v0 =	vmov s11;
	_ =	sdelay $0x3  }
0x20: {  	s15 =	simm.s32 $0x0  }
0x21: {  	v6 =	vld.idx.msk [tilespmem:v0+s15+$0x30 ss:$0x1], $0xffff  }
0x22: {  	v7 =	vld.idx.msk [tilespmem:v0+s15+$0xFFFFFFC0 ss:$0x1], $0xffff  }
0x23: {  	v5 =	vld.idx.msk [tilespmem:v0+s15+$0xFFFFFFD0 ss:$0x1], $0xffff  }
0x24: {  	v4 =	vld.idx.msk [tilespmem:v0+s15+$0xFFFFFFE0 ss:$0x1], $0xffff  }
0x25: {  	v3 =	vld.idx.msk [tilespmem:v0+s15+$0xFFFFFFF0 ss:$0x1], $0xffff  }
0x26: {  	v1 =	vld.idx.msk [tilespmem:v0+s15+$0x0 ss:$0x1], $0xffff  }
0x27: {  	v2 =	vld.idx.msk [tilespmem:v0+s15+$0x10 ss:$0x1], $0xffff;
	[tilespmem:s10+$0x30] =	vst v6  }
0x28: {  	s14 =	simm.s32 $0x80;
	s16 =	simm.s32 $0x400;
	[tilespmem:s10+$0xFFFFFFC0] =	vst v7;
	v6 =	vld.idx.msk [tilespmem:v0+s15+$0x20 ss:$0x1], $0xffff;
	s15 =	smov.u32 s10  }
.LBB1_4:
0x29: {  	p1 =	sne.s32 s16, $0xE00;
	v7 =	vld.idx.msk [tilespmem:v0+s14+$0x30 ss:$0x1], $0xffff;
	[tilespmem:s15+$0xFFFFFFD0] =	vst v5  }
0x2a: {  	v8 =	vld.idx.msk [tilespmem:v0+s14+$0xFFFFFFC0 ss:$0x1], $0xffff;
	[tilespmem:s15+$0xFFFFFFE0] =	vst v4  }
0x2b: {  	v5 =	vld.idx.msk [tilespmem:v0+s14+$0xFFFFFFD0 ss:$0x1], $0xffff;
	[tilespmem:s15+$0xFFFFFFF0] =	vst v3  }
.Ltmp3:
0x2c: {  	v4 =	vld.idx.msk [tilespmem:v0+s14+$0xFFFFFFE0 ss:$0x1], $0xffff;
	[tilespmem:s15+$0x0] =	vst v1;
	(pc) =	sbr.rel @p1 .LBB1_4-.Ltmp3, $4  }
0x2d: {  	v3 =	vld.idx.msk [tilespmem:v0+s14+$0xFFFFFFF0 ss:$0x1], $0xffff;
	[tilespmem:s15+$0x10] =	vst v2  }
0x2e: {  	v1 =	vld.idx.msk [tilespmem:v0+s14+$0x0 ss:$0x1], $0xffff;
	[tilespmem:s15+$0x20] =	vst v6;
	s15 =	sadd.s32 $0x800, s15  }
0x2f: {  	v2 =	vld.idx.msk [tilespmem:v0+s14+$0x10 ss:$0x1], $0xffff;
	[tilespmem:s15+$0x30] =	vst v7  }
0x30: {  	[tilespmem:s15+$0xFFFFFFC0] =	vst v8;
	v6 =	vld.idx.msk [tilespmem:v0+s14+$0x20 ss:$0x1], $0xffff;
	s14 =	sshra.s32 s16, $0x2;
	s16 =	sadd.s32 $0x200, s16  }
0x31: {  	_ =	sdelay $0x2  }
0x32: {  	[tilespmem:s15+$0xFFFFFFD0] =	vst v5  }
0x33: {  	v56 =	vld.idx.msk [tilespmem:v0+s14+$0x30 ss:$0x1], $0xffff;
	[tilespmem:s15+$0xFFFFFFE0] =	vst v4  }
0x34: {  	v57 =	vld.idx.msk [tilespmem:v0+s14+$0xFFFFFFC0 ss:$0x1], $0xffff;
	[tilespmem:s15+$0xFFFFFFF0] =	vst v3  }
0x35: {  	v58 =	vld.idx.msk [tilespmem:v0+s14+$0xFFFFFFD0 ss:$0x1], $0xffff;
	[tilespmem:s15+$0x0] =	vst v1  }
0x36: {  	v59 =	vld.idx.msk [tilespmem:v0+s14+$0xFFFFFFE0 ss:$0x1], $0xffff;
	[tilespmem:s15+$0x10] =	vst v2  }
0x37: {  	v60 =	vld.idx.msk [tilespmem:v0+s14+$0xFFFFFFF0 ss:$0x1], $0xffff;
	s31 =	sadd.s32 $0x800, s15;
	[tilespmem:s15+$0x20] =	vst v6  }
0x38: {  	v61 =	vld.idx.msk [tilespmem:v0+s14+$0x0 ss:$0x1], $0xffff;
	[tilespmem:s31+$0x30] =	vst v56  }
0x39: {  	v62 =	vld.idx.msk [tilespmem:v0+s14+$0x10 ss:$0x1], $0xffff;
	s13 =	sadd.s32 $0x1, s13;
	[tilespmem:s31+$0xFFFFFFC0] =	vst v57  }
0x3a: {  	v63 =	vld.idx.msk [tilespmem:v0+s14+$0x20 ss:$0x1], $0xffff;
	p1 =	sne.s32 s13, $0x10;
	[tilespmem:s31+$0xFFFFFFD0] =	vst v58  }
.Ltmp4:
0x3b: {  	[tilespmem:s31+$0xFFFFFFE0] =	vst v59;
	(pc) =	sbr.rel @p1 .LBB1_3-.Ltmp4, $4  }
0x3c: {  	[tilespmem:s31+$0xFFFFFFF0] =	vst v60  }
0x3d: {  	[tilespmem:s31+$0x0] =	vst v61  }
0x3e: {  	[tilespmem:s31+$0x10] =	vst v62  }
0x3f: {  	s10 =	sadd.s32 $0x80, s10;
	s11 =	sadd.s32 $0x400, s11;
	[tilespmem:s31+$0x20] =	vst v63  }
.Ltmp5:
0x40: {  	(pc) =	sbr.rel .LBB1_7-.Ltmp5, $4  }
0x41: {  	_ = 	snop  }
0x42: {  	s9 =	sshll.u32 s9, $0xB  }
0x43: {  	s9 =	sadd.s32 s3, s9  }
0x44: {  	[hbm4b:s9+s6] =	stream.linear.scatter [tilespmem:s12], [sflag:$0x2], $0x4000, $0x38;
	[tilespmem:$0x10000] =	vst v63  }
.LBB1_8:
0x45: {  	_ =	sfence.sel $0x180000  }
0x46: {  	s2 =	simm.s32 $0x1;
	[bflag:$0x0] =	sbarrier.arrive $0xFFFF  }
0x47: {  	s31 =	simm.s32 $0x2;
	[sflag:s2] =	ssyncpa.u1 $0x1  }
0x48: {  	[sflag:s31] =	ssyncpa.u1 $0x1  }
0x49: {  	p0 =	sne.s32 s1, $0x0;
	_ =	strace $0x90000047  }
0x4a: {  	s0 =	sadd.s32 @!p0 $0x100000, s0;
	[bflag:$0x2] =	sbarrier.arrive $0xFFFF  }
0x4b: {  	[sflag:s0] =	ssyncadd.tile.s32 @!p0 $0x1;
	_ =	shalt  }
.Lfunc_end1:
_tile_overlayer_lowered:
.L_overlay_start_2:
0x4c: {  	(tag) =	ssettag $0x2  }
0x4d: {  	s0 =	rddreg [dreg:$0x0];
	s2 =	stileid.u32  }
0x4e: {  	s1 =	rddreg [dreg:$0x1];
	p0 =	sne.s32 s2, $0x0  }
0x4f: {  	s3 =	rddreg [dreg:$0x2];
	[bflag:$0x3] =	sbarrier.arrive $0xFFFF;
	s2 =	simm.s32 @!p0 $0x1C01  }
0x50: {  	[timem:s3], [sflag:s2] =	dma.local @!p0 [hbm:s0], s1  }
0x51: {  	s0 =	simm.s32 @!p0 $0x1  }
0x52: {  	_ =	swait.ge @!p0 [sflag:s0], s1  }
0x53: {  	s1 =	ssub.s32 @!p0 $0x0, s1;
	[sflag:s0] =	ssyncset.done @!p0 $0x0  }
0x54: {  	[sflag:s0] =	ssyncadd.s32 @!p0 s1  }
0x55: {  	[bflag:$0x3] =	sbarrier.arrive $0xFFFF  }
0x56: {  	_ =	shalt  }

</sc_bundles>
